<compile_context>
chip_gen: v7x
topology: tpu7x:2x2x1
jax: 0.10.2.dev20260603
libtpu: 0.0.44.dev20260713+nightly
codegen_flags: <defaults>
</compile_context>

<pallas_src>
import functools

import jax
import jax.numpy as jnp
import numpy as np
from jax.experimental import pallas as pl

D = 768
H = 12
DH = 64
WIN = 16
DEPTH = 2
MDIM = 64
T = 1.0
L = 2048
R_MERGE = 512



def _layer_norm(x, g, b):
    m = jnp.mean(x, axis=-1, keepdims=True)
    v = jnp.mean((x - m) ** 2, axis=-1, keepdims=True)
    return (x - m) / jnp.sqrt(v + 1e-6) * g + b


def _local_block(x, i, ln1_g, ln1_b, Wqkv, bqkv, Wproj, bproj, ln2_g, ln2_b,
                 Wfc1, bfc1, Wfc2, bfc2):
    Bb, Ll, d = x.shape
    h = _layer_norm(x, ln1_g[i], ln1_b[i])
    qkv = h @ Wqkv[i] + bqkv[i]
    nw = Ll // WIN
    qkv = qkv.reshape(Bb, nw, WIN, 3, H, DH)
    q = jnp.transpose(qkv[:, :, :, 0], (0, 1, 3, 2, 4))
    k = jnp.transpose(qkv[:, :, :, 1], (0, 1, 3, 2, 4))
    v = jnp.transpose(qkv[:, :, :, 2], (0, 1, 3, 2, 4))
    attn = jax.nn.softmax(q @ jnp.swapaxes(k, -1, -2) / np.sqrt(DH), axis=-1)
    o = jnp.transpose(attn @ v, (0, 1, 3, 2, 4)).reshape(Bb, Ll, d)
    x = x + o @ Wproj[i] + bproj[i]
    h2 = _layer_norm(x, ln2_g[i], ln2_b[i])
    m = jax.nn.gelu(h2 @ Wfc1[i] + bfc1[i]) @ Wfc2[i] + bfc2[i]
    return x + m



def _scores_body(a_ref, b_ref, nmax_ref, nidx_ref):
    a = a_ref[0]
    b = b_ref[0]
    sc = jnp.dot(a, b.T, preferred_element_type=jnp.float32)
    nmax_ref[0] = jnp.max(sc, axis=-1, keepdims=True)
    nidx_ref[0] = jnp.argmax(sc, axis=-1, keepdims=True).astype(jnp.int32)


def _node_scores(a, b):
    Bb, E, _ = a.shape
    nmax, nidx = pl.pallas_call(
        _scores_body,
        grid=(Bb,),
        in_specs=[pl.BlockSpec((1, E, MDIM), lambda i: (i, 0, 0)),
                  pl.BlockSpec((1, E, MDIM), lambda i: (i, 0, 0))],
        out_specs=(pl.BlockSpec((1, E, 1), lambda i: (i, 0, 0)),
                   pl.BlockSpec((1, E, 1), lambda i: (i, 0, 0))),
        out_shape=(jax.ShapeDtypeStruct((Bb, E, 1), jnp.float32),
                   jax.ShapeDtypeStruct((Bb, E, 1), jnp.int32)),
    )(a, b)
    return nmax[..., 0], nidx[..., 0]



def _mask_body(fr_ref, wt_ref, o_ref, *, rb):
    base = pl.program_id(1) * rb
    fr = fr_ref[0]
    wt = wt_ref[0]
    rows = base + jax.lax.broadcasted_iota(jnp.int32, (rb, fr.shape[-1]), 0)
    o_ref[0] = jnp.where(fr == rows, wt, 0.0)


def _build_source(fr, wt, nrows, rb=512):
    Bb, Ltot = fr.shape
    return pl.pallas_call(
        functools.partial(_mask_body, rb=rb),
        grid=(Bb, nrows // rb),
        in_specs=[pl.BlockSpec((1, 1, Ltot), lambda i, j: (i, 0, 0)),
                  pl.BlockSpec((1, 1, Ltot), lambda i, j: (i, 0, 0))],
        out_specs=pl.BlockSpec((1, rb, Ltot), lambda i, j: (i, j, 0)),
        out_shape=jax.ShapeDtypeStruct((Bb, nrows, Ltot), jnp.float32),
    )(fr[:, None, :].astype(jnp.int32), wt[:, None, :])



def _final_body(fr_ref, wt_ref, x2_ref, src_ref, size_ref, x_ref, *, rb):
    base = pl.program_id(1) * rb
    fr = fr_ref[0]
    wt = wt_ref[0]
    rows = base + jax.lax.broadcasted_iota(jnp.int32, (rb, L), 0)
    s_blk = jnp.where(fr == rows, wt, 0.0)
    src_ref[0] = s_blk
    size = jnp.sum(s_blk, axis=-1, keepdims=True)
    size_ref[0] = size
    xw = jnp.dot(s_blk, x2_ref[0], preferred_element_type=jnp.float32)
    x_ref[0] = xw / jnp.maximum(size, 1e-6)


def _final_combine(fr, wt, x2, nrows, rb=512):
    Bb = fr.shape[0]
    return pl.pallas_call(
        functools.partial(_final_body, rb=rb),
        grid=(Bb, nrows // rb),
        in_specs=[pl.BlockSpec((1, 1, L), lambda i, j: (i, 0, 0)),
                  pl.BlockSpec((1, 1, L), lambda i, j: (i, 0, 0)),
                  pl.BlockSpec((1, L, D), lambda i, j: (i, 0, 0))],
        out_specs=(pl.BlockSpec((1, rb, L), lambda i, j: (i, j, 0)),
                   pl.BlockSpec((1, rb, 1), lambda i, j: (i, j, 0)),
                   pl.BlockSpec((1, rb, D), lambda i, j: (i, j, 0))),
        out_shape=(jax.ShapeDtypeStruct((Bb, nrows, L), jnp.float32),
                   jax.ShapeDtypeStruct((Bb, nrows, 1), jnp.float32),
                   jax.ShapeDtypeStruct((Bb, nrows, D), jnp.float32)),
    )(fr[:, None, :].astype(jnp.int32), wt[:, None, :], x2)



def _selection(nmax, nidx):
    E = nmax.shape[0]
    unm = E - R_MERGE
    order = jnp.argsort(-nmax).astype(jnp.int32)
    inv = jnp.zeros((E,), jnp.int32).at[order].set(jnp.arange(E, dtype=jnp.int32))
    sel = inv < R_MERGE
    fr_e = jnp.where(sel, unm + nidx, inv - R_MERGE)
    wt_e = jnp.where(sel, jax.nn.sigmoid(nmax / T), 1.0)
    fr = jnp.stack([fr_e, unm + jnp.arange(E, dtype=jnp.int32)], axis=1).reshape(-1)
    wt = jnp.stack([wt_e, jnp.ones((E,), nmax.dtype)], axis=1).reshape(-1)
    return fr, wt, order


def _sizes_step1(nmax, nidx, order):
    src_idx = order[:R_MERGE]
    w = jax.nn.sigmoid(jnp.take(nmax, src_idx) / T)
    dst = jnp.take(nidx, src_idx)
    merged = jnp.ones((L // 2,), nmax.dtype).at[dst].add(jnp.ones_like(w) * w)
    return jnp.concatenate([jnp.ones((L // 2 - R_MERGE,), nmax.dtype), merged])



def kernel(hidden_states, ln1_g, ln1_b, Wqkv, bqkv, Wproj, bproj, ln2_g, ln2_b,
           Wfc1, bfc1, Wfc2, bfc2, Wm, bm):
    x = hidden_states
    xs = []
    for i in range(DEPTH):
        x = _local_block(x, i, ln1_g, ln1_b, Wqkv, bqkv, Wproj, bproj,
                         ln2_g, ln2_b, Wfc1, bfc1, Wfc2, bfc2)
        xs.append(x)
    x1, x2 = xs

    m1 = x1 @ Wm[0] + bm[0]
    mn1 = m1 / (jnp.linalg.norm(m1, axis=-1, keepdims=True) + 1e-6)
    nmax1, nidx1 = _node_scores(mn1[:, ::2], mn1[:, 1::2])
    fr1, wt1, order1 = jax.vmap(_selection)(nmax1, nidx1)
    s1 = jax.vmap(_sizes_step1)(nmax1, nidx1, order1)

    M1 = _build_source(fr1, wt1, L - R_MERGE)
    xm1 = jnp.einsum("brl,bld->brd", M1, x2) / jnp.maximum(s1[..., None], 1e-6)

    m2 = xm1 @ Wm[1] + bm[1]
    mn2 = m2 / (jnp.linalg.norm(m2, axis=-1, keepdims=True) + 1e-6)
    nmax2, nidx2 = _node_scores(mn2[:, ::2], mn2[:, 1::2])
    fr2, c2, _ = jax.vmap(_selection)(nmax2, nidx2)

    fr = jnp.take_along_axis(fr2, fr1, axis=-1)
    wt = wt1 * jnp.take_along_axis(c2, fr1, axis=-1)
    src, size, x_out = _final_combine(fr, wt, x2, L - 2 * R_MERGE)
    return x_out, size, src

# --- scband reference (transcript-rebuilt; emitter-appended) ---
"""Pipeline reference for scband-local-encoder-nlp-37924561223763 (READ-ONLY COPY).

The authoritative reference and input builder live on the scoring server;
editing this copy changes nothing except your own understanding.
"""

import jax, jax.numpy as jnp
import numpy as np

D = 768
H = 12
DH = 64
WIN = 16
DEPTH = 2
MDIM = 64
LAMBDA = 2
T = 1.0
B = 2
L = 2048


def layer_norm(x, g, b):
    m = jnp.mean(x, axis=-1, keepdims=True)
    v = jnp.mean((x - m) ** 2, axis=-1, keepdims=True)
    return (x - m) / jnp.sqrt(v + 1e-6) * g + b


def local_block(x, i, ln1_g, ln1_b, Wqkv, bqkv, Wproj, bproj, ln2_g, ln2_b, Wfc1, bfc1, Wfc2, bfc2):
    Bb, Ll, d = x.shape
    h = layer_norm(x, ln1_g[i], ln1_b[i])
    qkv = h @ Wqkv[i] + bqkv[i]
    nw = Ll // WIN
    qkv = qkv.reshape(Bb, nw, WIN, 3, H, DH)
    q = jnp.transpose(qkv[:, :, :, 0], (0, 1, 3, 2, 4))
    k = jnp.transpose(qkv[:, :, :, 1], (0, 1, 3, 2, 4))
    v = jnp.transpose(qkv[:, :, :, 2], (0, 1, 3, 2, 4))
    attn = jax.nn.softmax(q @ jnp.swapaxes(k, -1, -2) / np.sqrt(DH), axis=-1)
    o = jnp.transpose(attn @ v, (0, 1, 3, 2, 4)).reshape(Bb, Ll, d)
    x = x + o @ Wproj[i] + bproj[i]
    h2 = layer_norm(x, ln2_g[i], ln2_b[i])
    m = jax.nn.gelu(h2 @ Wfc1[i] + bfc1[i]) @ Wfc2[i] + bfc2[i]
    return x + m


def merge_step(x, size, source, metric, r):
    mn = metric / (jnp.linalg.norm(metric, axis=-1, keepdims=True) + 1e-6)
    a = mn[:, ::2]
    b = mn[:, 1::2]
    scores = a @ jnp.swapaxes(b, -1, -2)
    node_max = jnp.max(scores, axis=-1)
    node_idx = jnp.argmax(scores, axis=-1)
    order = jnp.argsort(-node_max, axis=-1)
    src_idx = order[:, :r]
    unm_idx = order[:, r:]
    xa = x[:, ::2]
    xb = x[:, 1::2]
    sa = size[:, ::2]
    sb = size[:, 1::2]
    xw_a = xa * sa
    xw_b = xb * sb
    src_x = jnp.take_along_axis(xw_a, src_idx[:, :, None], axis=1)
    src_s = jnp.take_along_axis(sa, src_idx[:, :, None], axis=1)
    w = jax.nn.sigmoid(jnp.take_along_axis(node_max, src_idx, axis=1) / T)[:, :, None]
    dst = jnp.take_along_axis(node_idx, src_idx, axis=1)
    scat = jax.vmap(lambda t, i, v: t.at[i].add(v))
    merged_xw = scat(xw_b, dst, src_x * w)
    merged_s = scat(sb, dst, src_s * w)
    unm_xw = jnp.take_along_axis(xw_a, unm_idx[:, :, None], axis=1)
    unm_s = jnp.take_along_axis(sa, unm_idx[:, :, None], axis=1)
    new_xw = jnp.concatenate([unm_xw, merged_xw], axis=1)
    new_s = jnp.concatenate([unm_s, merged_s], axis=1)
    new_x = new_xw / jnp.maximum(new_s, 1e-6)
    src_a = source[:, ::2]
    src_b = source[:, 1::2]
    src_rows = jnp.take_along_axis(src_a, src_idx[:, :, None], axis=1) * w
    merged_rows = scat(src_b, dst, src_rows)
    unm_rows = jnp.take_along_axis(src_a, unm_idx[:, :, None], axis=1)
    new_source = jnp.concatenate([unm_rows, merged_rows], axis=1)
    return new_x, new_s, new_source


def forward(hidden_states, ln1_g, ln1_b, Wqkv, bqkv, Wproj, bproj, ln2_g, ln2_b, Wfc1, bfc1, Wfc2, bfc2, Wm, bm):
    Bb, Ll, d = hidden_states.shape
    x = hidden_states
    x_layers = []
    for i in range(DEPTH):
        x = local_block(x, i, ln1_g, ln1_b, Wqkv, bqkv, Wproj, bproj, ln2_g, ln2_b, Wfc1, bfc1, Wfc2, bfc2)
        x_layers.append(x)
    x_merge = x_layers[-1]
    total_merge = int(Ll * (1 - 1.0 / LAMBDA))
    r = total_merge // DEPTH
    size = jnp.ones((Bb, Ll, 1), dtype=x.dtype)
    source = jnp.broadcast_to(jnp.eye(Ll, dtype=x.dtype), (Bb, Ll, Ll))
    for i in range(DEPTH):
        layer_x = x_layers[i]
        x_metric = (source @ layer_x) / jnp.maximum(size, 1e-6)
        metric = jax.lax.stop_gradient(x_metric) @ Wm[i] + bm[i]
        x_merge, size, source = merge_step(x_merge, size, source, metric, r)
    return x_merge, size, source


def setup_inputs(seed: int = 0):
    key = jax.random.key(seed)
    ks = jax.random.split(key, 8)

    def rn(k, shape, s=0.02):
        return jax.random.normal(k, shape, dtype=jnp.float32) * s

    return {
        "hidden_states": jax.random.normal(ks[0], (B, L, D), dtype=jnp.float32),
        "ln1_g": jnp.ones((DEPTH, D), dtype=jnp.float32),
        "ln1_b": jnp.zeros((DEPTH, D), dtype=jnp.float32),
        "Wqkv": rn(ks[1], (DEPTH, D, 3 * D)),
        "bqkv": jnp.zeros((DEPTH, 3 * D), dtype=jnp.float32),
        "Wproj": rn(ks[2], (DEPTH, D, D)),
        "bproj": jnp.zeros((DEPTH, D), dtype=jnp.float32),
        "ln2_g": jnp.ones((DEPTH, D), dtype=jnp.float32),
        "ln2_b": jnp.zeros((DEPTH, D), dtype=jnp.float32),
        "Wfc1": rn(ks[3], (DEPTH, D, 4 * D)),
        "bfc1": jnp.zeros((DEPTH, 4 * D), dtype=jnp.float32),
        "Wfc2": rn(ks[4], (DEPTH, 4 * D, D)),
        "bfc2": jnp.zeros((DEPTH, D), dtype=jnp.float32),
        "Wm": rn(ks[5], (DEPTH, D, MDIM)),
        "bm": jnp.zeros((DEPTH, MDIM), dtype=jnp.float32),
    }


def reference(hidden_states, ln1_g, ln1_b, Wqkv, bqkv, Wproj, bproj, ln2_g, ln2_b, Wfc1, bfc1, Wfc2, bfc2, Wm, bm):
    return forward(hidden_states, ln1_g, ln1_b, Wqkv, bqkv, Wproj, bproj, ln2_g, ln2_b, Wfc1, bfc1, Wfc2, bfc2, Wm, bm)

if __name__ == "__main__":
    import jax
    _d = setup_inputs()
    print(jax.jit(kernel)(*tuple(_d.values())))

</pallas_src>

<mosaic_0001>
module attributes {stable_mosaic.version = 14 : i64} {
  func.func @_scores_body(%arg0: i32, %arg1: memref<1x1024x64xf32, #tpu.memory_space<vmem>>, %arg2: memref<1x1024x64xf32, #tpu.memory_space<vmem>>, %arg3: memref<1x1024x1xf32, #tpu.memory_space<vmem>>, %arg4: memref<1x1024x1xi32, #tpu.memory_space<vmem>>) attributes {dimension_semantics = [#tpu.dimension_semantics<arbitrary>], iteration_bounds = array<i64: 2>, scalar_prefetch = 0 : i64, scratch_operands = 0 : i64, tpu.core_type = #tpu.core_type<tc>, window_params = [{transform_indices = @transform_0, window_bounds = array<i64: 1, 1024, 64>}, {transform_indices = @transform_1, window_bounds = array<i64: 1, 1024, 64>}, {transform_indices = @transform_2, window_bounds = array<i64: 1, 1024, 1>}, {transform_indices = @transform_3, window_bounds = array<i64: 1, 1024, 1>}]} {
    %get3A = arith.constant 0 : index
    %get3A_0 = arith.constant 0 : index
    %get3A_1 = arith.constant 0 : index
    %get3A_2 = vector.load %arg1[%get3A, %get3A_0, %get3A_1] : memref<1x1024x64xf32, #tpu.memory_space<vmem>>, vector<1x1024x64xf32>
    %get3A_3 = vector.shape_cast %get3A_2 : vector<1x1024x64xf32> to vector<1024x64xf32>
    %get3A_4 = arith.constant 0 : index
    %get3A_5 = arith.constant 0 : index
    %get3A_6 = arith.constant 0 : index
    %get3A_7 = vector.load %arg2[%get3A_4, %get3A_5, %get3A_6] : memref<1x1024x64xf32, #tpu.memory_space<vmem>>, vector<1x1024x64xf32>
    %get3A_8 = vector.shape_cast %get3A_7 : vector<1x1024x64xf32> to vector<1024x64xf32>
    %transpose3A = tpu.transpose %get3A_8, [1, 0] : vector<1024x64xf32> -> vector<64x1024xf32>
    %dot_general3A = arith.constant dense<0.000000e+00> : vector<1024x1024xf32>
    %dot_general3A_9 = tpu.matmul %get3A_3, %transpose3A, %dot_general3A {dimension_numbers = #tpu.dot_dimension_numbers<[1], [0], [0], [1], [0, 0, 1, 1], [], []>, transpose_lhs_hint = false} : vector<1024x64xf32>, vector<64x1024xf32>, vector<1024x1024xf32> -> vector<1024x1024xf32>
    %reduce_max3A = arith.constant dense<0xFF800000> : vector<1024xf32>
    %reduce_max3A_10 = vector.multi_reduction <maximumf>, %dot_general3A_9, %reduce_max3A [1] : vector<1024x1024xf32> to vector<1024xf32>
    %broadcast_in_dim3A = vector.shape_cast %reduce_max3A_10 : vector<1024xf32> to vector<1024x1xf32>
    %swap3A = arith.constant 0 : index
    %swap3A_11 = arith.constant 0 : index
    %swap3A_12 = arith.constant 0 : index
    %swap3A_13 = vector.load %arg3[%swap3A, %swap3A_11, %swap3A_12] : memref<1x1024x1xf32, #tpu.memory_space<vmem>>, vector<1x1024x1xf32>
    %swap3A_14 = vector.shape_cast %swap3A_13 : vector<1x1024x1xf32> to vector<1024x1xf32>
    %swap3A_15 = vector.shape_cast %broadcast_in_dim3A : vector<1024x1xf32> to vector<1x1024x1xf32>
    tpu.vector_store %arg3[%swap3A, %swap3A_11, %swap3A_12], %swap3A_15 {strides = array<i32>} : memref<1x1024x1xf32, #tpu.memory_space<vmem>>, vector<1x1024x1xf32>,
    %argmax3A = tpu.reduce_index %dot_general3A_9 {axis = 1 : i32, kind = #tpu.reduction_kind<arg_max>} : vector<1024x1024xf32> -> vector<1024xi32>
    %broadcast_in_dim3A_16 = vector.shape_cast %argmax3A : vector<1024xi32> to vector<1024x1xi32>
    %swap3A_17 = arith.constant 0 : index
    %swap3A_18 = arith.constant 0 : index
    %swap3A_19 = arith.constant 0 : index
    %swap3A_20 = vector.load %arg4[%swap3A_17, %swap3A_18, %swap3A_19] : memref<1x1024x1xi32, #tpu.memory_space<vmem>>, vector<1x1024x1xi32>
    %swap3A_21 = vector.shape_cast %swap3A_20 : vector<1x1024x1xi32> to vector<1024x1xi32>
    %swap3A_22 = vector.shape_cast %broadcast_in_dim3A_16 : vector<1024x1xi32> to vector<1x1024x1xi32>
    tpu.vector_store %arg4[%swap3A_17, %swap3A_18, %swap3A_19], %swap3A_22 {strides = array<i32>} : memref<1x1024x1xi32, #tpu.memory_space<vmem>>, vector<1x1024x1xi32>,
    return
  }
  func.func @transform_0(%arg0: i32) -> (i32, i32, i32) {
    %c0_i32 = arith.constant 0 : i32
    %c0_i32_0 = arith.constant 0 : i32
    %c0_i32_1 = arith.constant 0 : i32
    return %arg0, %c0_i32, %c0_i32_0 : i32, i32, i32
  }
  func.func @transform_1(%arg0: i32) -> (i32, i32, i32) {
    %c0_i32 = arith.constant 0 : i32
    %c0_i32_0 = arith.constant 0 : i32
    %c0_i32_1 = arith.constant 0 : i32
    return %arg0, %c0_i32, %c0_i32_0 : i32, i32, i32
  }
  func.func @transform_2(%arg0: i32) -> (i32, i32, i32) {
    %c0_i32 = arith.constant 0 : i32
    %c0_i32_0 = arith.constant 0 : i32
    %c0_i32_1 = arith.constant 0 : i32
    return %arg0, %c0_i32, %c0_i32_0 : i32, i32, i32
  }
  func.func @transform_3(%arg0: i32) -> (i32, i32, i32) {
    %c0_i32 = arith.constant 0 : i32
    %c0_i32_0 = arith.constant 0 : i32
    %c0_i32_1 = arith.constant 0 : i32
    return %arg0, %c0_i32, %c0_i32_0 : i32, i32, i32
  }
}

module attributes {stable_mosaic.version = 14 : i64} {
  func.func @_mask_body(%arg0: i32, %arg1: i32, %arg2: memref<1x1x2048xi32, #tpu.memory_space<vmem>>, %arg3: memref<1x1x2048xf32, #tpu.memory_space<vmem>>, %arg4: memref<1x512x2048xf32, #tpu.memory_space<vmem>>) attributes {dimension_semantics = [#tpu.dimension_semantics<arbitrary>, #tpu.dimension_semantics<arbitrary>], iteration_bounds = array<i64: 2, 3>, scalar_prefetch = 0 : i64, scratch_operands = 0 : i64, tpu.core_type = #tpu.core_type<tc>, window_params = [{transform_indices = @transform_0, window_bounds = array<i64: 1, 1, 2048>}, {transform_indices = @transform_1, window_bounds = array<i64: 1, 1, 2048>}, {transform_indices = @transform_2, window_bounds = array<i64: 1, 512, 2048>}]} {
    %mul3A = arith.constant 512 : i32
    %mul3A_0 = arith.muli %arg1, %mul3A : i32
    %get3A = arith.constant 0 : index
    %get3A_1 = arith.constant 0 : index
    %get3A_2 = arith.constant 0 : index
    %get3A_3 = vector.load %arg2[%get3A, %get3A_1, %get3A_2] : memref<1x1x2048xi32, #tpu.memory_space<vmem>>, vector<1x1x2048xi32>
    %get3A_4 = vector.shape_cast %get3A_3 : vector<1x1x2048xi32> to vector<1x2048xi32>
    %get3A_5 = arith.constant 0 : index
    %get3A_6 = arith.constant 0 : index
    %get3A_7 = arith.constant 0 : index
    %get3A_8 = vector.load %arg3[%get3A_5, %get3A_6, %get3A_7] : memref<1x1x2048xf32, #tpu.memory_space<vmem>>, vector<1x1x2048xf32>
    %get3A_9 = vector.shape_cast %get3A_8 : vector<1x1x2048xf32> to vector<1x2048xf32>
    %iota3A = tpu.iota {dimensions = array<i32: 0>} : vector<512x2048xi32>
    %add3A = vector.broadcast %mul3A_0 : i32 to vector<512x2048xi32>
    %add3A_10 = arith.addi %add3A, %iota3A : vector<512x2048xi32>
    %eq3A = vector.broadcast %get3A_4 : vector<1x2048xi32> to vector<512x2048xi32>
    %eq3A_11 = arith.cmpi eq, %eq3A, %add3A_10 : vector<512x2048xi32>
    %jit3A = arith.constant 0.000000e+00 : f32
    %broadcast_in_dim3A = vector.shape_cast %get3A_9 : vector<1x2048xf32> to vector<1x2048xf32>
    %broadcast_in_dim3A_12 = vector.broadcast %broadcast_in_dim3A : vector<1x2048xf32> to vector<512x2048xf32>
    %broadcast_in_dim3A_13 = vector.broadcast %jit3A : f32 to vector<512x2048xf32>
    %select_n3A = arith.select %eq3A_11, %broadcast_in_dim3A_12, %broadcast_in_dim3A_13 : vector<512x2048xi1>, vector<512x2048xf32>
    %swap3A = arith.constant 0 : index
    %swap3A_14 = arith.constant 0 : index
    %swap3A_15 = arith.constant 0 : index
    %swap3A_16 = vector.load %arg4[%swap3A, %swap3A_14, %swap3A_15] : memref<1x512x2048xf32, #tpu.memory_space<vmem>>, vector<1x512x2048xf32>
    %swap3A_17 = vector.shape_cast %swap3A_16 : vector<1x512x2048xf32> to vector<512x2048xf32>
    %swap3A_18 = vector.shape_cast %select_n3A : vector<512x2048xf32> to vector<1x512x2048xf32>
    tpu.vector_store %arg4[%swap3A, %swap3A_14, %swap3A_15], %swap3A_18 {strides = array<i32>} : memref<1x512x2048xf32, #tpu.memory_space<vmem>>, vector<1x512x2048xf32>,
    return
  }
  func.func @transform_0(%arg0: i32, %arg1: i32) -> (i32, i32, i32) {
    %c0_i32 = arith.constant 0 : i32
    %c0_i32_0 = arith.constant 0 : i32
    %c0_i32_1 = arith.constant 0 : i32
    return %arg0, %c0_i32, %c0_i32_0 : i32, i32, i32
  }
  func.func @transform_1(%arg0: i32, %arg1: i32) -> (i32, i32, i32) {
    %c0_i32 = arith.constant 0 : i32
    %c0_i32_0 = arith.constant 0 : i32
    %c0_i32_1 = arith.constant 0 : i32
    return %arg0, %c0_i32, %c0_i32_0 : i32, i32, i32
  }
  func.func @transform_2(%arg0: i32, %arg1: i32) -> (i32, i32, i32) {
    %c0_i32 = arith.constant 0 : i32
    %c0_i32_0 = arith.constant 0 : i32
    return %arg0, %arg1, %c0_i32 : i32, i32, i32
  }
}

module attributes {stable_mosaic.version = 14 : i64} {
  func.func @_scores_body(%arg0: i32, %arg1: memref<1x768x64xf32, #tpu.memory_space<vmem>>, %arg2: memref<1x768x64xf32, #tpu.memory_space<vmem>>, %arg3: memref<1x768x1xf32, #tpu.memory_space<vmem>>, %arg4: memref<1x768x1xi32, #tpu.memory_space<vmem>>) attributes {dimension_semantics = [#tpu.dimension_semantics<arbitrary>], iteration_bounds = array<i64: 2>, scalar_prefetch = 0 : i64, scratch_operands = 0 : i64, tpu.core_type = #tpu.core_type<tc>, window_params = [{transform_indices = @transform_0, window_bounds = array<i64: 1, 768, 64>}, {transform_indices = @transform_1, window_bounds = array<i64: 1, 768, 64>}, {transform_indices = @transform_2, window_bounds = array<i64: 1, 768, 1>}, {transform_indices = @transform_3, window_bounds = array<i64: 1, 768, 1>}]} {
    %get3A = arith.constant 0 : index
    %get3A_0 = arith.constant 0 : index
    %get3A_1 = arith.constant 0 : index
    %get3A_2 = vector.load %arg1[%get3A, %get3A_0, %get3A_1] : memref<1x768x64xf32, #tpu.memory_space<vmem>>, vector<1x768x64xf32>
    %get3A_3 = vector.shape_cast %get3A_2 : vector<1x768x64xf32> to vector<768x64xf32>
    %get3A_4 = arith.constant 0 : index
    %get3A_5 = arith.constant 0 : index
    %get3A_6 = arith.constant 0 : index
    %get3A_7 = vector.load %arg2[%get3A_4, %get3A_5, %get3A_6] : memref<1x768x64xf32, #tpu.memory_space<vmem>>, vector<1x768x64xf32>
    %get3A_8 = vector.shape_cast %get3A_7 : vector<1x768x64xf32> to vector<768x64xf32>
    %transpose3A = tpu.transpose %get3A_8, [1, 0] : vector<768x64xf32> -> vector<64x768xf32>
    %dot_general3A = arith.constant dense<0.000000e+00> : vector<768x768xf32>
    %dot_general3A_9 = tpu.matmul %get3A_3, %transpose3A, %dot_general3A {dimension_numbers = #tpu.dot_dimension_numbers<[1], [0], [0], [1], [0, 0, 1, 1], [], []>, transpose_lhs_hint = false} : vector<768x64xf32>, vector<64x768xf32>, vector<768x768xf32> -> vector<768x768xf32>
    %reduce_max3A = arith.constant dense<0xFF800000> : vector<768xf32>
    %reduce_max3A_10 = vector.multi_reduction <maximumf>, %dot_general3A_9, %reduce_max3A [1] : vector<768x768xf32> to vector<768xf32>
    %broadcast_in_dim3A = vector.shape_cast %reduce_max3A_10 : vector<768xf32> to vector<768x1xf32>
    %swap3A = arith.constant 0 : index
    %swap3A_11 = arith.constant 0 : index
    %swap3A_12 = arith.constant 0 : index
    %swap3A_13 = vector.load %arg3[%swap3A, %swap3A_11, %swap3A_12] : memref<1x768x1xf32, #tpu.memory_space<vmem>>, vector<1x768x1xf32>
    %swap3A_14 = vector.shape_cast %swap3A_13 : vector<1x768x1xf32> to vector<768x1xf32>
    %swap3A_15 = vector.shape_cast %broadcast_in_dim3A : vector<768x1xf32> to vector<1x768x1xf32>
    tpu.vector_store %arg3[%swap3A, %swap3A_11, %swap3A_12], %swap3A_15 {strides = array<i32>} : memref<1x768x1xf32, #tpu.memory_space<vmem>>, vector<1x768x1xf32>,
    %argmax3A = tpu.reduce_index %dot_general3A_9 {axis = 1 : i32, kind = #tpu.reduction_kind<arg_max>} : vector<768x768xf32> -> vector<768xi32>
    %broadcast_in_dim3A_16 = vector.shape_cast %argmax3A : vector<768xi32> to vector<768x1xi32>
    %swap3A_17 = arith.constant 0 : index
    %swap3A_18 = arith.constant 0 : index
    %swap3A_19 = arith.constant 0 : index
    %swap3A_20 = vector.load %arg4[%swap3A_17, %swap3A_18, %swap3A_19] : memref<1x768x1xi32, #tpu.memory_space<vmem>>, vector<1x768x1xi32>
    %swap3A_21 = vector.shape_cast %swap3A_20 : vector<1x768x1xi32> to vector<768x1xi32>
    %swap3A_22 = vector.shape_cast %broadcast_in_dim3A_16 : vector<768x1xi32> to vector<1x768x1xi32>
    tpu.vector_store %arg4[%swap3A_17, %swap3A_18, %swap3A_19], %swap3A_22 {strides = array<i32>} : memref<1x768x1xi32, #tpu.memory_space<vmem>>, vector<1x768x1xi32>,
    return
  }
  func.func @transform_0(%arg0: i32) -> (i32, i32, i32) {
    %c0_i32 = arith.constant 0 : i32
    %c0_i32_0 = arith.constant 0 : i32
    %c0_i32_1 = arith.constant 0 : i32
    return %arg0, %c0_i32, %c0_i32_0 : i32, i32, i32
  }
  func.func @transform_1(%arg0: i32) -> (i32, i32, i32) {
    %c0_i32 = arith.constant 0 : i32
    %c0_i32_0 = arith.constant 0 : i32
    %c0_i32_1 = arith.constant 0 : i32
    return %arg0, %c0_i32, %c0_i32_0 : i32, i32, i32
  }
  func.func @transform_2(%arg0: i32) -> (i32, i32, i32) {
    %c0_i32 = arith.constant 0 : i32
    %c0_i32_0 = arith.constant 0 : i32
    %c0_i32_1 = arith.constant 0 : i32
    return %arg0, %c0_i32, %c0_i32_0 : i32, i32, i32
  }
  func.func @transform_3(%arg0: i32) -> (i32, i32, i32) {
    %c0_i32 = arith.constant 0 : i32
    %c0_i32_0 = arith.constant 0 : i32
    %c0_i32_1 = arith.constant 0 : i32
    return %arg0, %c0_i32, %c0_i32_0 : i32, i32, i32
  }
}

module attributes {stable_mosaic.version = 14 : i64} {
  func.func @_final_body(%arg0: i32, %arg1: i32, %arg2: memref<1x1x2048xi32, #tpu.memory_space<vmem>>, %arg3: memref<1x1x2048xf32, #tpu.memory_space<vmem>>, %arg4: memref<1x2048x768xf32, #tpu.memory_space<vmem>>, %arg5: memref<1x512x2048xf32, #tpu.memory_space<vmem>>, %arg6: memref<1x512x1xf32, #tpu.memory_space<vmem>>, %arg7: memref<1x512x768xf32, #tpu.memory_space<vmem>>) attributes {dimension_semantics = [#tpu.dimension_semantics<arbitrary>, #tpu.dimension_semantics<arbitrary>], iteration_bounds = array<i64: 2, 2>, scalar_prefetch = 0 : i64, scratch_operands = 0 : i64, tpu.core_type = #tpu.core_type<tc>, window_params = [{transform_indices = @transform_0, window_bounds = array<i64: 1, 1, 2048>}, {transform_indices = @transform_1, window_bounds = array<i64: 1, 1, 2048>}, {transform_indices = @transform_2, window_bounds = array<i64: 1, 2048, 768>}, {transform_indices = @transform_3, window_bounds = array<i64: 1, 512, 2048>}, {transform_indices = @transform_4, window_bounds = array<i64: 1, 512, 1>}, {transform_indices = @transform_5, window_bounds = array<i64: 1, 512, 768>}]} {
    %mul3A = arith.constant 512 : i32
    %mul3A_0 = arith.muli %arg1, %mul3A : i32
    %get3A = arith.constant 0 : index
    %get3A_1 = arith.constant 0 : index
    %get3A_2 = arith.constant 0 : index
    %get3A_3 = vector.load %arg2[%get3A, %get3A_1, %get3A_2] : memref<1x1x2048xi32, #tpu.memory_space<vmem>>, vector<1x1x2048xi32>
    %get3A_4 = vector.shape_cast %get3A_3 : vector<1x1x2048xi32> to vector<1x2048xi32>
    %get3A_5 = arith.constant 0 : index
    %get3A_6 = arith.constant 0 : index
    %get3A_7 = arith.constant 0 : index
    %get3A_8 = vector.load %arg3[%get3A_5, %get3A_6, %get3A_7] : memref<1x1x2048xf32, #tpu.memory_space<vmem>>, vector<1x1x2048xf32>
    %get3A_9 = vector.shape_cast %get3A_8 : vector<1x1x2048xf32> to vector<1x2048xf32>
    %iota3A = tpu.iota {dimensions = array<i32: 0>} : vector<512x2048xi32>
    %add3A = vector.broadcast %mul3A_0 : i32 to vector<512x2048xi32>
    %add3A_10 = arith.addi %add3A, %iota3A : vector<512x2048xi32>
    %eq3A = vector.broadcast %get3A_4 : vector<1x2048xi32> to vector<512x2048xi32>
    %eq3A_11 = arith.cmpi eq, %eq3A, %add3A_10 : vector<512x2048xi32>
    %jit3A = arith.constant 0.000000e+00 : f32
    %broadcast_in_dim3A = vector.shape_cast %get3A_9 : vector<1x2048xf32> to vector<1x2048xf32>
    %broadcast_in_dim3A_12 = vector.broadcast %broadcast_in_dim3A : vector<1x2048xf32> to vector<512x2048xf32>
    %broadcast_in_dim3A_13 = vector.broadcast %jit3A : f32 to vector<512x2048xf32>
    %select_n3A = arith.select %eq3A_11, %broadcast_in_dim3A_12, %broadcast_in_dim3A_13 : vector<512x2048xi1>, vector<512x2048xf32>
    %swap3A = arith.constant 0 : index
    %swap3A_14 = arith.constant 0 : index
    %swap3A_15 = arith.constant 0 : index
    %swap3A_16 = vector.load %arg5[%swap3A, %swap3A_14, %swap3A_15] : memref<1x512x2048xf32, #tpu.memory_space<vmem>>, vector<1x512x2048xf32>
    %swap3A_17 = vector.shape_cast %swap3A_16 : vector<1x512x2048xf32> to vector<512x2048xf32>
    %swap3A_18 = vector.shape_cast %select_n3A : vector<512x2048xf32> to vector<1x512x2048xf32>
    tpu.vector_store %arg5[%swap3A, %swap3A_14, %swap3A_15], %swap3A_18 {strides = array<i32>} : memref<1x512x2048xf32, #tpu.memory_space<vmem>>, vector<1x512x2048xf32>,
    %reduce_sum3A = arith.constant dense<0.000000e+00> : vector<512xf32>
    %reduce_sum3A_19 = vector.multi_reduction <add>, %select_n3A, %reduce_sum3A [1] : vector<512x2048xf32> to vector<512xf32>
    %broadcast_in_dim3A_20 = vector.shape_cast %reduce_sum3A_19 : vector<512xf32> to vector<512x1xf32>
    %swap3A_21 = arith.constant 0 : index
    %swap3A_22 = arith.constant 0 : index
    %swap3A_23 = arith.constant 0 : index
    %swap3A_24 = vector.load %arg6[%swap3A_21, %swap3A_22, %swap3A_23] : memref<1x512x1xf32, #tpu.memory_space<vmem>>, vector<1x512x1xf32>
    %swap3A_25 = vector.shape_cast %swap3A_24 : vector<1x512x1xf32> to vector<512x1xf32>
    %swap3A_26 = vector.shape_cast %broadcast_in_dim3A_20 : vector<512x1xf32> to vector<1x512x1xf32>
    tpu.vector_store %arg6[%swap3A_21, %swap3A_22, %swap3A_23], %swap3A_26 {strides = array<i32>} : memref<1x512x1xf32, #tpu.memory_space<vmem>>, vector<1x512x1xf32>,
    %get3A_27 = arith.constant 0 : index
    %get3A_28 = arith.constant 0 : index
    %get3A_29 = arith.constant 0 : index
    %get3A_30 = vector.load %arg4[%get3A_27, %get3A_28, %get3A_29] : memref<1x2048x768xf32, #tpu.memory_space<vmem>>, vector<1x2048x768xf32>
    %get3A_31 = vector.shape_cast %get3A_30 : vector<1x2048x768xf32> to vector<2048x768xf32>
    %dot_general3A = arith.constant dense<0.000000e+00> : vector<512x768xf32>
    %dot_general3A_32 = tpu.matmul %select_n3A, %get3A_31, %dot_general3A {dimension_numbers = #tpu.dot_dimension_numbers<[1], [0], [0], [1], [0, 0, 1, 1], [], []>, transpose_lhs_hint = false} : vector<512x2048xf32>, vector<2048x768xf32>, vector<512x768xf32> -> vector<512x768xf32>
    %max3A = arith.constant 9.99999997E-7 : f32
    %max3A_33 = vector.broadcast %max3A : f32 to vector<512x1xf32>
    %max3A_34 = arith.maximumf %broadcast_in_dim3A_20, %max3A_33 : vector<512x1xf32>
    %div3A = vector.broadcast %max3A_34 : vector<512x1xf32> to vector<512x768xf32>
    %div3A_35 = arith.divf %dot_general3A_32, %div3A : vector<512x768xf32>
    %swap3A_36 = arith.constant 0 : index
    %swap3A_37 = arith.constant 0 : index
    %swap3A_38 = arith.constant 0 : index
    %swap3A_39 = vector.load %arg7[%swap3A_36, %swap3A_37, %swap3A_38] : memref<1x512x768xf32, #tpu.memory_space<vmem>>, vector<1x512x768xf32>
    %swap3A_40 = vector.shape_cast %swap3A_39 : vector<1x512x768xf32> to vector<512x768xf32>
    %swap3A_41 = vector.shape_cast %div3A_35 : vector<512x768xf32> to vector<1x512x768xf32>
    tpu.vector_store %arg7[%swap3A_36, %swap3A_37, %swap3A_38], %swap3A_41 {strides = array<i32>} : memref<1x512x768xf32, #tpu.memory_space<vmem>>, vector<1x512x768xf32>,
    return
  }
  func.func @transform_0(%arg0: i32, %arg1: i32) -> (i32, i32, i32) {
    %c0_i32 = arith.constant 0 : i32
    %c0_i32_0 = arith.constant 0 : i32
    %c0_i32_1 = arith.constant 0 : i32
    return %arg0, %c0_i32, %c0_i32_0 : i32, i32, i32
  }
  func.func @transform_1(%arg0: i32, %arg1: i32) -> (i32, i32, i32) {
    %c0_i32 = arith.constant 0 : i32
    %c0_i32_0 = arith.constant 0 : i32
    %c0_i32_1 = arith.constant 0 : i32
    return %arg0, %c0_i32, %c0_i32_0 : i32, i32, i32
  }
  func.func @transform_2(%arg0: i32, %arg1: i32) -> (i32, i32, i32) {
    %c0_i32 = arith.constant 0 : i32
    %c0_i32_0 = arith.constant 0 : i32
    %c0_i32_1 = arith.constant 0 : i32
    return %arg0, %c0_i32, %c0_i32_0 : i32, i32, i32
  }
  func.func @transform_3(%arg0: i32, %arg1: i32) -> (i32, i32, i32) {
    %c0_i32 = arith.constant 0 : i32
    %c0_i32_0 = arith.constant 0 : i32
    return %arg0, %arg1, %c0_i32 : i32, i32, i32
  }
  func.func @transform_4(%arg0: i32, %arg1: i32) -> (i32, i32, i32) {
    %c0_i32 = arith.constant 0 : i32
    %c0_i32_0 = arith.constant 0 : i32
    return %arg0, %arg1, %c0_i32 : i32, i32, i32
  }
  func.func @transform_5(%arg0: i32, %arg1: i32) -> (i32, i32, i32) {
    %c0_i32 = arith.constant 0 : i32
    %c0_i32_0 = arith.constant 0 : i32
    return %arg0, %arg1, %c0_i32 : i32, i32, i32
  }
}

</mosaic_0001>

<sc_bundles>
// kernel: gather_offload_async_start.1
scs
__scs_entry_jumppad:
0x0: {  	(pc) =	sbr.rel $0x88, $3  }
0x1: {  	(tag) =	ssettag $0x0;
	lr =	simm.s32 $0x1  }
0x2: {  	[smem:$0x3F92] =	sst lr;
	_ =	strace $0xD0000000  }
0x3: {  	_ = 	snop  }
0x4: {  	_ = 	snop  }
0x5: {  	_ = 	snop  }
0x6: {  	_ = 	snop  }
0x7: {  	_ = 	snop  }
__scs_overlays_trampoline_lowered:
0x8: {  	[smem:$0x3FA1] =	sst s0  }
0x9: {  	[smem:$0x3FA2] =	sst s1  }
0xa: {  	[smem:$0x3FA3] =	sst s2  }
0xb: {  	[smem:$0x3FA4] =	sst s3  }
0xc: {  	[smem:$0x3FA5] =	sst s4  }
0xd: {  	[smem:$0x3FA6] =	sst s5  }
0xe: {  	[smem:$0x3FA7] =	sst s6  }
0xf: {  	[smem:$0x3FA8] =	sst s7  }
0x10: {  	[smem:$0x3FA9] =	sst s8  }
0x11: {  	[smem:$0x3FAA] =	sst s9;
	s0 =	simm.s32 @!p0 $0x0  }
0x12: {  	s1 =	sld [smem:$0x3F90];
	s0 =	simm.s32 @p0 $0x1  }
0x13: {  	[smem:$0x3FAB] =	sst s0;
	s0 =	simm.s32 @!p1 $0x0  }
0x14: {  	s2 =	sld [smem:$0x3F8F];
	s0 =	simm.s32 @p1 $0x1  }
0x15: {  	[smem:$0x3FAC] =	sst s0;
	s0 =	simm.s32 @!p2 $0x0  }
0x16: {  	s3 =	sld [smem:$0x3FDB];
	s0 =	simm.s32 @p2 $0x1  }
0x17: {  	s4 =	simm.s32 $0x1BF5;
	[smem:$0x3FAE] =	sst s0  }
0x18: {  	s0 =	sld [smem:$0x3F91];
	_ =	swait.ge [sflag:s4], $0x0  }
0x19: {  	s7 =	sld [smem:$0x3F92]  }
0x1a: {  	s8 =	sadd.s32 $0xFFFFE003, lr  }
0x1b: {  	s9 =	sadd.s32 $0xFFFFFEF7, lr;
	s5 =	simm.s32 $0xFFFFFFFF;
	p2 =	slt.u32 s8, $0xFFFFF086  }
0x1c: {  	p1 =	slt.u32 s9, $0xF7A;
	s5 =	simm.s32 @!p2 $0x0  }
0x1d: {  	s5 =	simm.s32 @p1 $0x1;
	p0 =	seq.s32 s7, s2  }
0x1e: {  	s7 =	smul.u32 @!p0 $0xF7A, s2;
	p2 =	seq.s32 @!p0 s5, $0x0  }
0x1f: {  	s9 =	smul.u32 $0xF7A, s1;
	s8 =	simm.s32 @!p0 $0x1BF5;
	p2 =	por !p2, p0  }
0x20: {  	[sflag:s8] =	ssyncset.s32 @!p0 $0xFFFFF086;
	s6 =	sadd.s32 @!p0 s3, s7;
	s7 =	simm.s32 @!p0 $0x108  }
0x21: {  	s3 =	sadd.s32 s3, s9;
	s6 =	sadd.s32 @!p0 $0x88, s6;
	s7 =	simm.s32 @p2 $0x1082  }
0x22: {  	[simem:s7], [sflag:s8] =	dma.local @!p0 [hbm:s6], $0xF7A  }
0x23: {  	s9 =	sor.u32 $0xD0000000, s2;
	s6 =	simm.s32 $0x108;
	_ =	swait.ge @!p0 [sflag:s8], $0x0  }
0x24: {  	s3 =	sadd.s32 $0x88, s3;
	s6 =	simm.s32 @!p1 $0x1082;
	[sflag:s4] =	ssyncset.s32 $0xFFFFF086  }
0x25: {  	[simem:s6], [sflag:s4] =	dma.local [hbm:s3], $0xF7A  }
0x26: {  	[smem:$0x3F92] =	sst s1;
	(tag) =	ssettag s2;
	_ =	strace s9  }
0x27: {  	s1 =	sld [smem:$0x3FA2]  }
0x28: {  	s2 =	sld [smem:$0x3FA3]  }
0x29: {  	s4 =	sld [smem:$0x3FA5]  }
0x2a: {  	p0 =	seq.s32 s5, $0x0;
	s5 =	sld [smem:$0x3FA6]  }
0x2b: {  	s6 =	sld [smem:$0x3FA7]  }
0x2c: {  	s7 =	sld [smem:$0x3FA8]  }
0x2d: {  	s3 =	simm.s32 $0x108;
	s8 =	sld [smem:$0x3FA9]  }
0x2e: {  	s3 =	simm.s32 @!p0 $0x1082;
	s9 =	sld [smem:$0x3FAA]  }
0x2f: {  	lr =	sadd.s32 s0, s3;
	s0 =	sld [smem:$0x3FA1]  }
0x30: {  	s3 =	sld [smem:$0x3FA4]  }
0x31: {  	[smem:$0x3FAD] =	sst s10  }
0x32: {  	s10 =	sld [smem:$0x3FAB];
	_ =	sdelay $0x3  }
0x33: {  	p0 =	seq.s32 s10, $0x1;
	s10 =	sld [smem:$0x3FAD];
	_ =	sdelay $0x3  }
0x34: {  	[smem:$0x3FAD] =	sst s10  }
0x35: {  	s10 =	sld [smem:$0x3FAC];
	_ =	sdelay $0x3  }
0x36: {  	p1 =	seq.s32 s10, $0x1;
	s10 =	sld [smem:$0x3FAD];
	_ =	sdelay $0x3  }
0x37: {  	[smem:$0x3FAD] =	sst s10  }
0x38: {  	s10 =	sld [smem:$0x3FAE]  }
0x39: {  	_ = 	snop;
	(pc) =	sbr.ind lr, $3  }
0x3a: {  	_ = 	snop  }
0x3b: {  	_ = 	snop  }
0x3c: {  	p2 =	seq.s32 s10, $0x1;
	s10 =	sld [smem:$0x3FAD]  }
0x3d: {  	_ =	shalt  }
0x3e: {  	_ =	shalt  }
0x3f: {  	_ =	shalt  }
0x40: {  	_ =	shalt  }
0x41: {  	_ =	shalt  }
0x42: {  	_ =	shalt  }
0x43: {  	_ =	shalt  }
0x44: {  	_ =	shalt  }
0x45: {  	_ =	shalt  }
0x46: {  	_ =	shalt  }
0x47: {  	_ =	shalt  }
0x48: {  	_ =	shalt  }
0x49: {  	_ =	shalt  }
0x4a: {  	_ =	shalt  }
0x4b: {  	_ =	shalt  }
0x4c: {  	_ =	shalt  }
0x4d: {  	_ =	shalt  }
0x4e: {  	_ =	shalt  }
0x4f: {  	_ =	shalt  }
0x50: {  	_ =	shalt  }
0x51: {  	_ =	shalt  }
0x52: {  	_ =	shalt  }
0x53: {  	_ =	shalt  }
0x54: {  	_ =	shalt  }
0x55: {  	_ =	shalt  }
0x56: {  	_ =	shalt  }
0x57: {  	_ =	shalt  }
0x58: {  	_ =	shalt  }
0x59: {  	_ =	shalt  }
0x5a: {  	_ =	shalt  }
0x5b: {  	_ =	shalt  }
0x5c: {  	_ =	shalt  }
0x5d: {  	_ =	shalt  }
0x5e: {  	_ =	shalt  }
0x5f: {  	_ =	shalt  }
0x60: {  	_ =	shalt  }
0x61: {  	_ =	shalt  }
0x62: {  	_ =	shalt  }
0x63: {  	_ =	shalt  }
0x64: {  	_ =	shalt  }
0x65: {  	_ =	shalt  }
0x66: {  	_ =	shalt  }
0x67: {  	_ =	shalt  }
0x68: {  	_ =	shalt  }
0x69: {  	_ =	shalt  }
0x6a: {  	_ =	shalt  }
0x6b: {  	_ =	shalt  }
0x6c: {  	_ =	shalt  }
0x6d: {  	_ =	shalt  }
0x6e: {  	_ =	shalt  }
0x6f: {  	_ =	shalt  }
0x70: {  	_ =	shalt  }
0x71: {  	_ =	shalt  }
0x72: {  	_ =	shalt  }
0x73: {  	_ =	shalt  }
0x74: {  	_ =	shalt  }
0x75: {  	_ =	shalt  }
0x76: {  	_ =	shalt  }
0x77: {  	_ =	shalt  }
0x78: {  	_ =	shalt  }
0x79: {  	_ =	shalt  }
0x7a: {  	_ =	shalt  }
0x7b: {  	_ =	shalt  }
0x7c: {  	_ =	shalt  }
0x7d: {  	_ =	shalt  }
0x7e: {  	_ =	shalt  }
0x7f: {  	_ =	shalt  }
0x80: {  	_ =	shalt  }
0x81: {  	_ =	shalt  }
0x82: {  	_ =	shalt  }
0x83: {  	_ =	shalt  }
0x84: {  	_ =	shalt  }
0x85: {  	_ =	shalt  }
0x86: {  	_ =	shalt  }
0x87: {  	_ =	shalt  }
.Lfunc_end0:
.L_simem_size_0:
called_computation.2_lowered:
.L_overlay_start_0:
0x88: {  	s2 =	sld [smem:$0x3FD9]  }
0x89: {  	s3 =	sld [smem:$0x3FFE];
	_ =	sdelay $0x1  }
0x8a: {  	s1 =	srdreg.scid  }
0x8b: {  	s0 =	sand.u32 $0x1, s1  }
0x8c: {  	s14 =	sshll.u32 s0, $0xA;
	s2 =	sadd.s32 s3, s2  }
0x8d: {  	s2 =	sadd.s32 s2, s14  }
0x8e: {  	[smem:$0x3FB9] =	sst s2  }
0x8f: {  	_ = 	snop  }
0x90: {  	s2 =	sld [smem:$0x3FD0];
	_ =	sdelay $0x2  }
0x91: {  	s15 =	simm.s32 $0xB;
	s4 =	simm.s32 $0x10  }
0x92: {  	[smem:s4], [sflag:s15] =	dma.local [hbm:s2], $0x1  }
0x93: {  	_ =	swait.eq [sflag:s15], $0x1  }
0x94: {  	[sflag:s15] =	ssyncset.done $0x0  }
0x95: {  	[sflag:s15] =	ssyncadd.s32 $0xFFFFFFFF  }
0x96: {  	s16 =	sld [smem:$0x10];
	(tm) =	ssettm $0x1  }
0x97: {  	s17 =	sld [smem:$0x3FFB];
	_ =	sdelay $0x3  }
0x98: {  	_ =	strace s17  }
0x99: {  	s3 =	sld [smem:$0x3FFC];
	_ =	sdelay $0x3  }
0x9a: {  	_ =	strace s3  }
0x9b: {  	s3 =	sld [smem:$0x3FFD];
	_ =	sdelay $0x3  }
0x9c: {  	_ =	strace s3  }
0x9d: {  	_ =	strace $0x8FFFFFFF  }
0x9e: {  	s18 =	sld [smem:$0x3FDB];
	_ =	sdelay $0x1  }
0x9f: {  	s19 =	simm.s32 $_scs_section_size  }
0xa0: {  	s5 =	simm.s32 $_size__tile_overlayer_lowered;
	s6 =	simm.s32 $_tile_overlayer_lowered  }
0xa1: {  	s22 =	simm.s32 $0x1BFF;
	s21 =	sshll.u32 s6, $0x1;
	s3 =	sadd.s32 s19, s18  }
0xa2: {  	s7 =	simm.s32 $0x0;
	s20 =	sshll.u32 s5, $0x1;
	s5 =	sadd.s32 s21, s3  }
0xa3: {  	[timem:s7], [sflag:s22] =	dma.local [hbm:s5], s20  }
0xa4: {  	_ =	swait.ge [sflag:s22], s20  }
0xa5: {  	s4 =	ssub.s32 $0x0, s20;
	[sflag:s22] =	ssyncset.done $0x0  }
0xa6: {  	[sflag:s22] =	ssyncadd.s32 s4;
	_ =	sdelay $0x1  }
0xa7: {  	s23 =	simm.s32 $0x1B8B  }
0xa8: {  	_ =	swait.ge [sflag:s23], $0x1  }
0xa9: {  	[sflag:s23] =	ssyncset.done $0x0  }
0xaa: {  	s25 =	simm.s32 $0x1B8E;
	s24 =	sld [smem:$0x3FFE];
	[sflag:s23] =	ssyncadd.s32 $0xFFFFFFFF  }
0xab: {  	s26 =	simm.s32 $execute0_lowered;
	[smem:$0x3FD2] =	sst s25  }
0xac: {  	s5 =	sshll.u32 s26, $0x1;
	_ =	strace $0x80000049;
	[dreg:$0x1] =	wrdreg $0xFFFFFFFF  }
0xad: {  	s28 =	simm.s32 $_size_execute0_lowered;
	s3 =	sadd.s32 s3, s5;
	[dreg:$0x0] =	wrdreg $0x0  }
0xae: {  	s5 =	sshll.u32 s28, $0x1;
	[dreg:$0x2] =	wrdreg s3  }
0xaf: {  	[dreg:$0x3] =	wrdreg s5  }
0xb0: {  	[dreg:$0x4] =	wrdreg $0xC0  }
0xb1: {  	_ =	task [dreg:s7], $0x5FFFF  }
0xb2: {  	[dreg:$0x1] =	wrdreg $0xFFFFFFFF  }
0xb3: {  	[dreg:$0x0] =	wrdreg $0x60  }
0xb4: {  	[dreg:$0x2] =	wrdreg s24  }
0xb5: {  	[dreg:$0x3] =	wrdreg s16  }
0xb6: {  	[dreg:$0x4] =	wrdreg $0xA  }
0xb7: {  	_ =	task.clear_ibuf [dreg:s7], $0x5FFFF;
	_ =	strace $0x90000049  }
0xb8: {  	s29 =	simm.s32 $0xA;
	_ =	strace $0x8000004B  }
0xb9: {  	_ =	swait.ge [sflag:s29], $0x1  }
0xba: {  	[sflag:s29] =	ssyncadd.s32 $0xFFFFFFFF  }
0xbb: {  	_ =	strace $0x9000004B  }
0xbc: {  	_ =	sfence  }
0xbd: {  	s30 =	sld [smem:$0x0];
	_ =	sdelay $0x2  }
0xbe: {  	s31 =	sshll.u32 s1, $0xD;
	s1 =	sshrl.u32 s1, $0x2  }
0xbf: {  	s3 =	sand.u32 $0x4000, s31;
	s1 =	sadd.s32 s1, s30  }
0xc0: {  	s0 =	sor.u32 s3, s0;
	s1 =	sshll.u32 s1, $0x11  }
0xc1: {  	s0 =	sor.u32 s1, s0  }
0xc2: {  	s0 =	sadd.s32 $0x8F2B, s0  }
0xc3: {  	[sflag:s0] =	ssyncadd.remote.s32 $0x1  }
0xc4: {  	_ =	sfence.sel $0xFFFF  }
0xc5: {  	[dreg:$0x0] =	wrdreg $0xFFFFFFFF;
	(pc) =	sbr.abs _section_cstart, $3  }
0xc6: {  	[dreg:$0x1] =	wrdreg $0xFFFFFFFF  }
0xc7: {  	_ =	task.clear_ibuf [dreg:s7], $0x2FFFF;
	_ =	strace $0x9FFFFFFF  }
0xc8: {  	(tm) =	ssettm $0x7FFFFFFF  }
0xc9: {  	_ =	shalt  }
tec
execute0_lowered:
.L_overlay_start_1:
0x0: {  	(tag) =	ssettag $0x1  }
0x1: {  	s1 =	srdreg.scid;
	s5 =	rddreg [dreg:$0x0]  }
0x2: {  	s0 =	stileid.u32;
	s2 =	rddreg [dreg:$0x1];
	s6 =	simm.s32 $0x1  }
0x3: {  	s9 =	simm.s32 $0x1;
	s10 =	simm.s32 $0x3;
	s1 =	sshll.u32 s1, $0x6  }
0x4: {  	s13 =	simm.s32 $0x0;
	s3 =	sshll.u32 s0, $0x7;
	s4 =	sand.u32 $0x40, s1  }
0x5: {  	s12 =	simm.s32 $0x0;
	s1 =	rddreg [dreg:$0x2];
	s3 =	sor.u32 s3, s4  }
0x6: {  	_ =	strace $0x8000004A;
	s4 =	sadd.s32 $0x61400, s5;
	s8 =	ssub.s32 $0x1000, s3  }
.Ltmp0:
0x7: {  	s5 =	sadd.s32 $0x400, s5;
	s7 =	sand.u32 $0x7C0, s8;
	(pc) =	sbr.rel .LBB2_1-.Ltmp0, $4  }
0x8: {  	[sflag:s6] =	ssyncpa.u1 $0x0;
	s11 =	smov.u32 s3;
	p0 =	sne.s32 s7, $0x0  }
0x9: {  	s8 =	sshrl.u32 s8, $0xB;
	s7 =	simm.s32 $0x2;
	s9 =	simm.s32 @!p0 $0x0  }
0xa: {  	[sflag:s7] =	ssyncpa.u1 $0x0;
	p0 =	por $0x0, $0x0;
	s8 =	sadd.s32 s9, s8  }
0xb: {  	vm0 =	vmmov $0xffff;
	[sflag:s10] =	ssyncpa.u1 $0x0;
	s10 =	simm.s32 $0x0;
	s9 =	sadd.s32 $0x1, s8  }
.LBB2_4:
0xc: {  	v3 =	vand.u32 $0x1, v0;
	v62 =	vshrl.u32 v0, $0x1  }
0xd: {  	v3 =	vsel vm1, $0xFFFFFFFF, v3;
	v0 =	vand.u32 $0x7FF, v62  }
0xe: {  	v0 =	vsel vm1, $0xFFFFFFFF, v0;
	v4 =	vshrl.u32 v3, $0x1  }
0xf: {  	v4 =	vmul.u32 $0xC00, v4;
	v5 =	vshll.u32 v0, $0x1  }
0x10: {  	v3 =	vshll.u32 v3, $0x7;
	v5 =	vand.u32 $0xFFFFFF00, v5  }
0x11: {  	v1 =	vor.u32 v1, v2;
	v3 =	vand.u32 $0x80, v3;
	v63 =	vadd.s32 v4, v5  }
0x12: {  	v0 =	vand.u32 $0x7F, v0;
	v2 =	vor.u32 v3, v63  }
0x13: {  	v0 =	vor.u32 v0, v2;
	_ =	sdelay $0x1  }
0x14: {  	(ifvalue) =	ssetifvalue $0x7FFFFFFF;
	s15 =	sadd.s32 $0x10, s15  }
0x15: {  	[tilespmem:s15], [sflag:$0x1] =	stream.indirect_vreg.gather [hbm4b:s4+s10], $0x1, v1, vm0, $0x4038;
	[tilespmem:$0x100] =	vst v63  }
0x16: {  	(ifvalue) =	ssetifvalue $0x7FFFFFFF;
	s15 =	sadd.s32 $0x10, s15  }
0x17: {  	[tilespmem:s15], [sflag:$0x1] =	stream.indirect_vreg.gather [hbm4b:s4+s10], $0x1, v0, vm0, $0x4038;
	[tilespmem:$0x100] =	vst v63  }
0x18: {  	_ =	swait.ge [sflag:s6], $0x40  }
0x19: {  	s30 =	sshrl.u32 s13, $0x3;
	[sflag:s6] =	ssyncset.done $0x0  }
0x1a: {  	s31 =	sand.u32 $0x7, s13;
	s15 =	sadd.s32 s5, s30;
	[sflag:s6] =	ssyncadd.s32 $0xFFFFFFC0  }
0x1b: {  	[hbm4b:s15+s31] =	stream.linear.scatter [tilespmem:s14], [sflag:$0x3], $0x40, $0x38;
	[tilespmem:$0x100] =	vst v63  }
.LBB2_5:
0x1c: {  	s15 =	sadd.s32 $0x800, s11  }
0x1d: {  	p2 =	sgt.s32 s15, $0xFFF  }
0x1e: {  	s15 =	smov.u32 @p2 s3;
	p2 =	sne.s32 s12, s9  }
.Ltmp1:
0x1f: {  	p1 =	slt.u32 s12, $0x2;
	(pc) =	sbr.rel @!p2 .LBB2_6-.Ltmp1, $4  }
0x20: {  	s14 =	simm.s32 @!p1 $0x3  }
0x21: {  	s16 =	sadd.s32 $0x1, s12;
	_ =	swait.ge @!p1 [sflag:s14], $0x40  }
0x22: {  	s13 =	smov.u32 s11;
	p0 =	por !p0, !p0;
	[sflag:s14] =	ssyncset.done @!p1 $0x0  }
0x23: {  	s12 =	smov.u32 s16;
	s11 =	smov.u32 s15;
	[sflag:s14] =	ssyncadd.s32 @!p1 $0xFFFFFFC0  }
.LBB2_1:
0x24: {  	p1 =	sge.u32 s12, s8  }
0x25: {  	s14 =	sxor.u32 @!p1 $0xFFFFFFFF, s12  }
0x26: {  	s31 =	sadd.s32 $0xFFFFFFFF, s12;
	s15 =	sshrl.u32 @!p1 s11, $0x3;
	s14 =	sshll.u32 @!p1 s14, $0x6  }
0x27: {  	s16 =	sand.u32 @!p1 $0x7, s11;
	s15 =	sadd.s32 @!p1 s2, s15;
	s14 =	sand.u32 @!p1 $0x40, s14  }
0x28: {  	[tilespmem:s14], [sflag:$0x2] =	stream.linear.gather @!p1 [hbm4b:s15+s16], $0x40, $0x38;
	[tilespmem:$0x100] =	vst v63  }
0x29: {  	p1 =	sge.u32 s31, s8  }
.Ltmp2:
0x2a: {  	_ = 	snop;
	(pc) =	sbr.rel @p1 .LBB2_5-.Ltmp2, $1  }
0x2b: {  	_ =	sdelay $0x3  }
0x2c: {  	s14 =	simm.s32 $0x1  }
0x2d: {  	_ =	swait.ge [sflag:s7], $0x40;
	s14 =	simm.s32 @!p0 $0x0  }
0x2e: {  	[sflag:s7] =	ssyncset.done $0x0;
	s14 =	sshll.u32 s14, $0x6  }
0x2f: {  	[sflag:s7] =	ssyncadd.s32 $0xFFFFFFC0;
	(ifvalue) =	ssetifvalue $0x7FFFFFFF;
	v0 =	vld.msk [tilespmem:s14+$0x0 ss:$0x1], $0xffff;
	_ =	sdelay $0x2  }
0x30: {  	s15 =	sadd.s32 $0x10, s14  }
0x31: {  	v3 =	vld.msk [tilespmem:s15+$0x0 ss:$0x1], $0xffff  }
0x32: {  	vm1 =	veq.s32 v0, $0x80000000;
	v1 =	vand.u32 $0x1, v0;
	v0 =	vshrl.u32 v0, $0x1  }
0x33: {  	v1 =	vsel vm1, $0xFFFFFFFF, v1;
	v0 =	vand.u32 $0x7FF, v0  }
0x34: {  	v0 =	vsel vm1, $0xFFFFFFFF, v0;
	v2 =	vshrl.u32 v1, $0x1  }
0x35: {  	v2 =	vmul.u32 $0xC00, v2;
	v4 =	vshll.u32 v0, $0x1  }
0x36: {  	v1 =	vshll.u32 v1, $0x7;
	vm1 =	veq.s32 v3, $0x80000000;
	v4 =	vand.u32 $0xFFFFFF00, v4  }
0x37: {  	v1 =	vand.u32 $0x80, v1;
	v0 =	vand.u32 $0x7F, v0;
	v2 =	vadd.s32 v2, v4  }
0x38: {  	s17 =	sadd.s32 $0x10, s15;
	v1 =	vor.u32 v1, v2;
	v2 =	vand.u32 $0x1, v3;
	v3 =	vshrl.u32 v3, $0x1  }
0x39: {  	v1 =	vor.u32 v0, v1;
	v0 =	vld.msk [tilespmem:s17+$0x0 ss:$0x1], $0xffff;
	v2 =	vsel vm1, $0xFFFFFFFF, v2;
	v3 =	vand.u32 $0x7FF, v3  }
0x3a: {  	v3 =	vsel vm1, $0xFFFFFFFF, v3;
	v63 =	vshrl.u32 v2, $0x1  }
0x3b: {  	s31 =	sshll.u32 s12, $0x6;
	v4 =	vmul.u32 $0xC00, v63;
	v5 =	vshll.u32 v3, $0x1  }
0x3c: {  	s16 =	simm.s32 $0x20;
	s15 =	sor.u32 $0x80, s14;
	s14 =	sand.u32 $0x40, s31;
	v2 =	vshll.u32 v2, $0x7;
	v5 =	vand.u32 $0xFFFFFF00, v5  }
0x3d: {  	s14 =	sor.u32 $0x80, s14;
	(ifvalue) =	ssetifvalue $0x7FFFFFFF;
	s17 =	sadd.s32 $0x10, s17;
	v2 =	vand.u32 $0x80, v2;
	v4 =	vadd.s32 v4, v5  }
0x3e: {  	[tilespmem:s15], [sflag:$0x1] =	stream.indirect_vreg.gather [hbm4b:s4+s10], $0x1, v1, vm0, $0x4038;
	vm1 =	veq.s32 v0, $0x80000000;
	v1 =	vand.u32 $0x7F, v3;
	v2 =	vor.u32 v2, v4;
	[tilespmem:$0x100] =	vst v63  }
.LBB2_3:
0x3f: {  	v3 =	vand.u32 $0x1, v0;
	v4 =	vshrl.u32 v0, $0x1;
	v0 =	vld.msk [tilespmem:s17+$0x0 ss:$0x1], $0xffff;
	v1 =	vor.u32 v1, v2;
	s16 =	sadd.s32 $0x10, s16  }
0x40: {  	v2 =	vsel vm1, $0xFFFFFFFF, v3;
	v3 =	vand.u32 $0x7FF, v4;
	p1 =	slt.u32 s16, $0x30  }
.Ltmp3:
0x41: {  	v3 =	vsel vm1, $0xFFFFFFFF, v3;
	v4 =	vshrl.u32 v2, $0x1;
	(pc) =	sbr.rel @p1 .LBB2_3-.Ltmp3, $4  }
0x42: {  	v4 =	vmul.u32 $0xC00, v4;
	v5 =	vshll.u32 v3, $0x1  }
0x43: {  	s15 =	sadd.s32 $0x10, s15;
	v2 =	vshll.u32 v2, $0x7;
	v5 =	vand.u32 $0xFFFFFF00, v5;
	(ifvalue) =	ssetifvalue $0x7FFFFFFF  }
0x44: {  	v2 =	vand.u32 $0x80, v2;
	v4 =	vadd.s32 v4, v5;
	[tilespmem:s15], [sflag:$0x1] =	stream.indirect_vreg.gather [hbm4b:s4+s10], $0x1, v1, vm0, $0x4038;
	[tilespmem:$0x100] =	vst v63  }
0x45: {  	s17 =	sadd.s32 $0x10, s17;
	vm1 =	veq.s32 v0, $0x80000000;
	v1 =	vand.u32 $0x7F, v3;
	v2 =	vor.u32 v2, v4  }
.Ltmp4:
0x46: {  	_ = 	snop;
	(pc) =	sbr.rel .LBB2_4-.Ltmp4, $1  }
0x47: {  	_ =	sdelay $0x3  }
.LBB2_6:
0x48: {  	_ =	sfence.sel $0x180000  }
0x49: {  	s2 =	simm.s32 $0x2;
	[bflag:$0x0] =	sbarrier.arrive $0xFFFF  }
0x4a: {  	s30 =	simm.s32 $0x3;
	[sflag:s2] =	ssyncpa.u1 $0x1  }
0x4b: {  	s31 =	simm.s32 $0x1;
	[sflag:s30] =	ssyncpa.u1 $0x1  }
0x4c: {  	[sflag:s31] =	ssyncpa.u1 $0x1  }
0x4d: {  	p0 =	sne.s32 s0, $0x0;
	_ =	strace $0x9000004A  }
0x4e: {  	s0 =	sadd.s32 @!p0 $0x100000, s1;
	[bflag:$0x2] =	sbarrier.arrive $0xFFFF  }
0x4f: {  	[sflag:s0] =	ssyncadd.tile.s32 @!p0 $0x1;
	_ =	shalt  }
.Lfunc_end2:
_tile_overlayer_lowered:
.L_overlay_start_2:
0x50: {  	(tag) =	ssettag $0x2  }
0x51: {  	s0 =	rddreg [dreg:$0x0];
	s2 =	stileid.u32  }
0x52: {  	s1 =	rddreg [dreg:$0x1];
	p0 =	sne.s32 s2, $0x0  }
0x53: {  	s3 =	rddreg [dreg:$0x2];
	[bflag:$0x3] =	sbarrier.arrive $0xFFFF;
	s2 =	simm.s32 @!p0 $0x1C01  }
0x54: {  	[timem:s3], [sflag:s2] =	dma.local @!p0 [hbm:s0], s1  }
0x55: {  	s0 =	simm.s32 @!p0 $0x1  }
0x56: {  	_ =	swait.ge @!p0 [sflag:s0], s1  }
0x57: {  	s1 =	ssub.s32 @!p0 $0x0, s1;
	[sflag:s0] =	ssyncset.done @!p0 $0x0  }
0x58: {  	[sflag:s0] =	ssyncadd.s32 @!p0 s1  }
0x59: {  	[bflag:$0x3] =	sbarrier.arrive $0xFFFF  }
0x5a: {  	_ =	shalt  }

// kernel: gather_offload_async_start
scs
__scs_entry_jumppad:
0x0: {  	(pc) =	sbr.rel $0x88, $3  }
0x1: {  	(tag) =	ssettag $0x0;
	lr =	simm.s32 $0x1  }
0x2: {  	[smem:$0x3F92] =	sst lr;
	_ =	strace $0xD0000000  }
0x3: {  	_ = 	snop  }
0x4: {  	_ = 	snop  }
0x5: {  	_ = 	snop  }
0x6: {  	_ = 	snop  }
0x7: {  	_ = 	snop  }
__scs_overlays_trampoline_lowered:
0x8: {  	[smem:$0x3FA1] =	sst s0  }
0x9: {  	[smem:$0x3FA2] =	sst s1  }
0xa: {  	[smem:$0x3FA3] =	sst s2  }
0xb: {  	[smem:$0x3FA4] =	sst s3  }
0xc: {  	[smem:$0x3FA5] =	sst s4  }
0xd: {  	[smem:$0x3FA6] =	sst s5  }
0xe: {  	[smem:$0x3FA7] =	sst s6  }
0xf: {  	[smem:$0x3FA8] =	sst s7  }
0x10: {  	[smem:$0x3FA9] =	sst s8  }
0x11: {  	[smem:$0x3FAA] =	sst s9;
	s0 =	simm.s32 @!p0 $0x0  }
0x12: {  	s1 =	sld [smem:$0x3F90];
	s0 =	simm.s32 @p0 $0x1  }
0x13: {  	[smem:$0x3FAB] =	sst s0;
	s0 =	simm.s32 @!p1 $0x0  }
0x14: {  	s2 =	sld [smem:$0x3F8F];
	s0 =	simm.s32 @p1 $0x1  }
0x15: {  	[smem:$0x3FAC] =	sst s0;
	s0 =	simm.s32 @!p2 $0x0  }
0x16: {  	s3 =	sld [smem:$0x3FDB];
	s0 =	simm.s32 @p2 $0x1  }
0x17: {  	s4 =	simm.s32 $0x1BF5;
	[smem:$0x3FAE] =	sst s0  }
0x18: {  	s0 =	sld [smem:$0x3F91];
	_ =	swait.ge [sflag:s4], $0x0  }
0x19: {  	s7 =	sld [smem:$0x3F92]  }
0x1a: {  	s8 =	sadd.s32 $0xFFFFE003, lr  }
0x1b: {  	s9 =	sadd.s32 $0xFFFFFEF7, lr;
	s5 =	simm.s32 $0xFFFFFFFF;
	p2 =	slt.u32 s8, $0xFFFFF086  }
0x1c: {  	p1 =	slt.u32 s9, $0xF7A;
	s5 =	simm.s32 @!p2 $0x0  }
0x1d: {  	s5 =	simm.s32 @p1 $0x1;
	p0 =	seq.s32 s7, s2  }
0x1e: {  	s7 =	smul.u32 @!p0 $0xF7A, s2;
	p2 =	seq.s32 @!p0 s5, $0x0  }
0x1f: {  	s9 =	smul.u32 $0xF7A, s1;
	s8 =	simm.s32 @!p0 $0x1BF5;
	p2 =	por !p2, p0  }
0x20: {  	[sflag:s8] =	ssyncset.s32 @!p0 $0xFFFFF086;
	s6 =	sadd.s32 @!p0 s3, s7;
	s7 =	simm.s32 @!p0 $0x108  }
0x21: {  	s3 =	sadd.s32 s3, s9;
	s6 =	sadd.s32 @!p0 $0x88, s6;
	s7 =	simm.s32 @p2 $0x1082  }
0x22: {  	[simem:s7], [sflag:s8] =	dma.local @!p0 [hbm:s6], $0xF7A  }
0x23: {  	s9 =	sor.u32 $0xD0000000, s2;
	s6 =	simm.s32 $0x108;
	_ =	swait.ge @!p0 [sflag:s8], $0x0  }
0x24: {  	s3 =	sadd.s32 $0x88, s3;
	s6 =	simm.s32 @!p1 $0x1082;
	[sflag:s4] =	ssyncset.s32 $0xFFFFF086  }
0x25: {  	[simem:s6], [sflag:s4] =	dma.local [hbm:s3], $0xF7A  }
0x26: {  	[smem:$0x3F92] =	sst s1;
	(tag) =	ssettag s2;
	_ =	strace s9  }
0x27: {  	s1 =	sld [smem:$0x3FA2]  }
0x28: {  	s2 =	sld [smem:$0x3FA3]  }
0x29: {  	s4 =	sld [smem:$0x3FA5]  }
0x2a: {  	p0 =	seq.s32 s5, $0x0;
	s5 =	sld [smem:$0x3FA6]  }
0x2b: {  	s6 =	sld [smem:$0x3FA7]  }
0x2c: {  	s7 =	sld [smem:$0x3FA8]  }
0x2d: {  	s3 =	simm.s32 $0x108;
	s8 =	sld [smem:$0x3FA9]  }
0x2e: {  	s3 =	simm.s32 @!p0 $0x1082;
	s9 =	sld [smem:$0x3FAA]  }
0x2f: {  	lr =	sadd.s32 s0, s3;
	s0 =	sld [smem:$0x3FA1]  }
0x30: {  	s3 =	sld [smem:$0x3FA4]  }
0x31: {  	[smem:$0x3FAD] =	sst s10  }
0x32: {  	s10 =	sld [smem:$0x3FAB];
	_ =	sdelay $0x3  }
0x33: {  	p0 =	seq.s32 s10, $0x1;
	s10 =	sld [smem:$0x3FAD];
	_ =	sdelay $0x3  }
0x34: {  	[smem:$0x3FAD] =	sst s10  }
0x35: {  	s10 =	sld [smem:$0x3FAC];
	_ =	sdelay $0x3  }
0x36: {  	p1 =	seq.s32 s10, $0x1;
	s10 =	sld [smem:$0x3FAD];
	_ =	sdelay $0x3  }
0x37: {  	[smem:$0x3FAD] =	sst s10  }
0x38: {  	s10 =	sld [smem:$0x3FAE]  }
0x39: {  	_ = 	snop;
	(pc) =	sbr.ind lr, $3  }
0x3a: {  	_ = 	snop  }
0x3b: {  	_ = 	snop  }
0x3c: {  	p2 =	seq.s32 s10, $0x1;
	s10 =	sld [smem:$0x3FAD]  }
0x3d: {  	_ =	shalt  }
0x3e: {  	_ =	shalt  }
0x3f: {  	_ =	shalt  }
0x40: {  	_ =	shalt  }
0x41: {  	_ =	shalt  }
0x42: {  	_ =	shalt  }
0x43: {  	_ =	shalt  }
0x44: {  	_ =	shalt  }
0x45: {  	_ =	shalt  }
0x46: {  	_ =	shalt  }
0x47: {  	_ =	shalt  }
0x48: {  	_ =	shalt  }
0x49: {  	_ =	shalt  }
0x4a: {  	_ =	shalt  }
0x4b: {  	_ =	shalt  }
0x4c: {  	_ =	shalt  }
0x4d: {  	_ =	shalt  }
0x4e: {  	_ =	shalt  }
0x4f: {  	_ =	shalt  }
0x50: {  	_ =	shalt  }
0x51: {  	_ =	shalt  }
0x52: {  	_ =	shalt  }
0x53: {  	_ =	shalt  }
0x54: {  	_ =	shalt  }
0x55: {  	_ =	shalt  }
0x56: {  	_ =	shalt  }
0x57: {  	_ =	shalt  }
0x58: {  	_ =	shalt  }
0x59: {  	_ =	shalt  }
0x5a: {  	_ =	shalt  }
0x5b: {  	_ =	shalt  }
0x5c: {  	_ =	shalt  }
0x5d: {  	_ =	shalt  }
0x5e: {  	_ =	shalt  }
0x5f: {  	_ =	shalt  }
0x60: {  	_ =	shalt  }
0x61: {  	_ =	shalt  }
0x62: {  	_ =	shalt  }
0x63: {  	_ =	shalt  }
0x64: {  	_ =	shalt  }
0x65: {  	_ =	shalt  }
0x66: {  	_ =	shalt  }
0x67: {  	_ =	shalt  }
0x68: {  	_ =	shalt  }
0x69: {  	_ =	shalt  }
0x6a: {  	_ =	shalt  }
0x6b: {  	_ =	shalt  }
0x6c: {  	_ =	shalt  }
0x6d: {  	_ =	shalt  }
0x6e: {  	_ =	shalt  }
0x6f: {  	_ =	shalt  }
0x70: {  	_ =	shalt  }
0x71: {  	_ =	shalt  }
0x72: {  	_ =	shalt  }
0x73: {  	_ =	shalt  }
0x74: {  	_ =	shalt  }
0x75: {  	_ =	shalt  }
0x76: {  	_ =	shalt  }
0x77: {  	_ =	shalt  }
0x78: {  	_ =	shalt  }
0x79: {  	_ =	shalt  }
0x7a: {  	_ =	shalt  }
0x7b: {  	_ =	shalt  }
0x7c: {  	_ =	shalt  }
0x7d: {  	_ =	shalt  }
0x7e: {  	_ =	shalt  }
0x7f: {  	_ =	shalt  }
0x80: {  	_ =	shalt  }
0x81: {  	_ =	shalt  }
0x82: {  	_ =	shalt  }
0x83: {  	_ =	shalt  }
0x84: {  	_ =	shalt  }
0x85: {  	_ =	shalt  }
0x86: {  	_ =	shalt  }
0x87: {  	_ =	shalt  }
.Lfunc_end0:
.L_simem_size_0:
called_computation.1_lowered:
.L_overlay_start_0:
0x88: {  	s2 =	sld [smem:$0x3FD9]  }
0x89: {  	s3 =	sld [smem:$0x3FFE];
	_ =	sdelay $0x1  }
0x8a: {  	s1 =	srdreg.scid  }
0x8b: {  	s0 =	sand.u32 $0x1, s1  }
0x8c: {  	s15 =	sshll.u32 s0, $0xA;
	s2 =	sadd.s32 s3, s2  }
0x8d: {  	s2 =	sadd.s32 s2, s15  }
0x8e: {  	[smem:$0x3FB9] =	sst s2  }
0x8f: {  	_ = 	snop  }
0x90: {  	s2 =	sld [smem:$0x3FD0];
	_ =	sdelay $0x2  }
0x91: {  	s4 =	simm.s32 $0xB;
	s16 =	simm.s32 $0x10  }
0x92: {  	[smem:s16], [sflag:s4] =	dma.local [hbm:s2], $0x1  }
0x93: {  	_ =	swait.eq [sflag:s4], $0x1  }
0x94: {  	[sflag:s4] =	ssyncset.done $0x0  }
0x95: {  	s17 =	sld [smem:$0x10];
	[sflag:s4] =	ssyncadd.s32 $0xFFFFFFFF  }
0x96: {  	s18 =	sld [smem:$0x12];
	(tm) =	ssettm $0x1  }
0x97: {  	s19 =	sld [smem:$0x3FFB];
	_ =	sdelay $0x3  }
0x98: {  	_ =	strace s19  }
0x99: {  	s2 =	sld [smem:$0x3FFC];
	_ =	sdelay $0x3  }
0x9a: {  	_ =	strace s2  }
0x9b: {  	s2 =	sld [smem:$0x3FFD];
	_ =	sdelay $0x3  }
0x9c: {  	_ =	strace s2  }
0x9d: {  	_ =	strace $0x8FFFFFFF  }
0x9e: {  	s20 =	sld [smem:$0x3FDB];
	_ =	sdelay $0x1  }
0x9f: {  	s5 =	simm.s32 $_scs_section_size  }
0xa0: {  	s6 =	simm.s32 $_size__tile_overlayer_lowered;
	s7 =	simm.s32 $_tile_overlayer_lowered  }
0xa1: {  	s8 =	simm.s32 $0x1BFF;
	s21 =	sshll.u32 s7, $0x1;
	s5 =	sadd.s32 s5, s20  }
0xa2: {  	s22 =	simm.s32 $0x0;
	s6 =	sshll.u32 s6, $0x1;
	s7 =	sadd.s32 s21, s5  }
0xa3: {  	[timem:s22], [sflag:s8] =	dma.local [hbm:s7], s6  }
0xa4: {  	_ =	swait.ge [sflag:s8], s6  }
0xa5: {  	s6 =	ssub.s32 $0x0, s6;
	[sflag:s8] =	ssyncset.done $0x0  }
0xa6: {  	[sflag:s8] =	ssyncadd.s32 s6;
	_ =	sdelay $0x1  }
0xa7: {  	s23 =	simm.s32 $0x1B8B  }
0xa8: {  	_ =	swait.ge [sflag:s23], $0x1  }
0xa9: {  	[sflag:s23] =	ssyncset.done $0x0  }
0xaa: {  	[sflag:s23] =	ssyncadd.s32 $0xFFFFFFFF  }
0xab: {  	s6 =	sld [smem:$0x0]  }
0xac: {  	s7 =	sand.u32 $0xFFFFFFFE, s1  }
0xad: {  	p0 =	sne.s32 s1, s7  }
0xae: {  	s7 =	sshll.u32 @p0 s7, $0xE  }
0xaf: {  	s7 =	sadd.s32 @p0 $0x11B8D, s7;
	s8 =	sshll.u32 @p0 s6, $0x11  }
0xb0: {  	s7 =	sor.u32 @p0 s8, s7  }
0xb1: {  	[sflag:s7] =	ssyncadd.remote.s32 @p0 $0x1;
	_ =	sdelay $0x1  }
0xb2: {  	s7 =	simm.s32 @p0 $0x1B8D  }
0xb3: {  	_ =	swait.eq @p0 [sflag:s7], $0x1  }
0xb4: {  	[sflag:s7] =	ssyncadd.s32 @p0 $0xFFFFFFFF  }
0xb5: {  	s8 =	sshll.u32 @!p0 s1, $0xE  }
0xb6: {  	s8 =	sor.u32 @!p0 $0x4000, s8;
	s7 =	simm.s32 @!p0 $0x1B8D  }
0xb7: {  	s6 =	sshll.u32 @!p0 s6, $0x11;
	s8 =	sadd.s32 @!p0 $0x11B8D, s8;
	_ =	swait.eq @!p0 [sflag:s7], $0x1  }
0xb8: {  	s6 =	sor.u32 @!p0 s6, s8;
	[sflag:s7] =	ssyncadd.s32 @!p0 $0xFFFFFFFF  }
0xb9: {  	s25 =	simm.s32 $0x1B8E;
	s24 =	sld [smem:$0x3FFE];
	[sflag:s6] =	ssyncadd.remote.s32 @!p0 $0x1  }
0xba: {  	s26 =	simm.s32 $execute0_lowered;
	[smem:$0x3FD2] =	sst s25  }
0xbb: {  	s7 =	sshll.u32 s26, $0x1;
	_ =	strace $0x8000004C;
	[dreg:$0x1] =	wrdreg $0xFFFFFFFF  }
0xbc: {  	s28 =	simm.s32 $_size_execute0_lowered;
	s5 =	sadd.s32 s5, s7;
	[dreg:$0x0] =	wrdreg $0x0  }
0xbd: {  	s7 =	sshll.u32 s28, $0x1;
	[dreg:$0x2] =	wrdreg s5  }
0xbe: {  	[dreg:$0x3] =	wrdreg s7  }
0xbf: {  	[dreg:$0x4] =	wrdreg $0xC0  }
0xc0: {  	_ =	task [dreg:s22], $0x5FFFF  }
0xc1: {  	[dreg:$0x1] =	wrdreg $0xFFFFFFFF  }
0xc2: {  	[dreg:$0x0] =	wrdreg $0x60  }
0xc3: {  	[dreg:$0x2] =	wrdreg s24  }
0xc4: {  	[dreg:$0x3] =	wrdreg s17  }
0xc5: {  	[dreg:$0x4] =	wrdreg s18  }
0xc6: {  	[dreg:$0x5] =	wrdreg $0x9  }
0xc7: {  	_ =	task.clear_ibuf [dreg:s22], $0x6FFFF;
	_ =	strace $0x9000004C  }
0xc8: {  	s29 =	simm.s32 $0x9;
	_ =	strace $0x8000004E  }
0xc9: {  	_ =	swait.ge [sflag:s29], $0x1  }
0xca: {  	[sflag:s29] =	ssyncadd.s32 $0xFFFFFFFF  }
0xcb: {  	_ =	strace $0x9000004E  }
0xcc: {  	_ =	sfence  }
0xcd: {  	s30 =	sld [smem:$0x0];
	_ =	sdelay $0x2  }
0xce: {  	s31 =	sshll.u32 s1, $0xD;
	s1 =	sshrl.u32 s1, $0x2  }
0xcf: {  	s4 =	sand.u32 $0x4000, s31;
	s1 =	sadd.s32 s1, s30  }
0xd0: {  	s0 =	sor.u32 s4, s0;
	s1 =	sshll.u32 s1, $0x11  }
0xd1: {  	s0 =	sor.u32 s1, s0  }
0xd2: {  	s0 =	sadd.s32 $0x8F2B, s0  }
0xd3: {  	[sflag:s0] =	ssyncadd.remote.s32 $0x1  }
0xd4: {  	_ =	sfence.sel $0xFFFF  }
0xd5: {  	[dreg:$0x0] =	wrdreg $0xFFFFFFFF;
	(pc) =	sbr.abs _section_cstart, $3  }
0xd6: {  	[dreg:$0x1] =	wrdreg $0xFFFFFFFF  }
0xd7: {  	_ =	task.clear_ibuf [dreg:s22], $0x2FFFF;
	_ =	strace $0x9FFFFFFF  }
0xd8: {  	(tm) =	ssettm $0x7FFFFFFF  }
0xd9: {  	_ =	shalt  }
tec
execute0_lowered:
.L_overlay_start_1:
0x0: {  	(tag) =	ssettag $0x1  }
0x1: {  	s5 =	rddreg [dreg:$0x0]  }
0x2: {  	s1 =	srdreg.scid;
	s2 =	rddreg [dreg:$0x1]  }
0x3: {  	s0 =	stileid.u32;
	s3 =	rddreg [dreg:$0x2]  }
0x4: {  	s9 =	simm.s32 $0x1;
	s10 =	simm.s32 $0x3;
	s1 =	sshll.u32 s1, $0x6  }
0x5: {  	s13 =	simm.s32 $0x0;
	s4 =	sshll.u32 s0, $0x7;
	s6 =	sand.u32 $0x40, s1  }
0x6: {  	s12 =	simm.s32 $0x0;
	s5 =	sadd.s32 $0x200, s5;
	s4 =	sor.u32 s4, s6  }
0x7: {  	s1 =	rddreg [dreg:$0x3];
	_ =	strace $0x8000004D;
	s8 =	ssub.s32 $0x1000, s4  }
.Ltmp0:
0x8: {  	s6 =	simm.s32 $0x1;
	s7 =	sand.u32 $0x7C0, s8;
	(pc) =	sbr.rel .LBB2_1-.Ltmp0, $4  }
0x9: {  	[sflag:s6] =	ssyncpa.u1 $0x0;
	s11 =	smov.u32 s4;
	p0 =	sne.s32 s7, $0x0  }
0xa: {  	s8 =	sshrl.u32 s8, $0xB;
	s7 =	simm.s32 $0x2;
	s9 =	simm.s32 @!p0 $0x0  }
0xb: {  	[sflag:s7] =	ssyncpa.u1 $0x0;
	p0 =	por $0x0, $0x0;
	s8 =	sadd.s32 s9, s8  }
0xc: {  	vm0 =	vmmov $0xffff;
	[sflag:s10] =	ssyncpa.u1 $0x0;
	s10 =	simm.s32 $0x0;
	s9 =	sadd.s32 $0x1, s8  }
.LBB2_4:
0xd: {  	v3 =	vand.u32 $0x1, v0;
	v62 =	vshrl.u32 v0, $0x1  }
0xe: {  	v3 =	vsel vm1, $0xFFFFFFFF, v3;
	v0 =	vand.u32 $0x7FF, v62  }
0xf: {  	v0 =	vsel vm1, $0xFFFFFFFF, v0;
	v4 =	vshrl.u32 v3, $0x1  }
0x10: {  	v4 =	vmul.u32 $0xC00, v4;
	v5 =	vshll.u32 v0, $0x1  }
0x11: {  	v3 =	vshll.u32 v3, $0x7;
	v5 =	vand.u32 $0xFFFFFF00, v5  }
0x12: {  	v1 =	vor.u32 v1, v2;
	v3 =	vand.u32 $0x80, v3;
	v63 =	vadd.s32 v4, v5  }
0x13: {  	v0 =	vand.u32 $0x7F, v0;
	v2 =	vor.u32 v3, v63  }
0x14: {  	v0 =	vor.u32 v0, v2;
	_ =	sdelay $0x1  }
0x15: {  	(ifvalue) =	ssetifvalue $0x7FFFFFFF;
	s15 =	sadd.s32 $0x10, s15  }
0x16: {  	[tilespmem:s15], [sflag:$0x1] =	stream.indirect_vreg.gather [hbm4b:s5+s10], $0x1, v1, vm0, $0x4038;
	[tilespmem:$0x100] =	vst v63  }
0x17: {  	(ifvalue) =	ssetifvalue $0x7FFFFFFF;
	s15 =	sadd.s32 $0x10, s15  }
0x18: {  	[tilespmem:s15], [sflag:$0x1] =	stream.indirect_vreg.gather [hbm4b:s5+s10], $0x1, v0, vm0, $0x4038;
	[tilespmem:$0x100] =	vst v63  }
0x19: {  	_ =	swait.ge [sflag:s6], $0x40  }
0x1a: {  	s30 =	sshrl.u32 s13, $0x3;
	[sflag:s6] =	ssyncset.done $0x0  }
0x1b: {  	s31 =	sand.u32 $0x7, s13;
	s15 =	sadd.s32 s3, s30;
	[sflag:s6] =	ssyncadd.s32 $0xFFFFFFC0  }
0x1c: {  	[hbm4b:s15+s31] =	stream.linear.scatter [tilespmem:s14], [sflag:$0x3], $0x40, $0x38;
	[tilespmem:$0x100] =	vst v63  }
.LBB2_5:
0x1d: {  	s15 =	sadd.s32 $0x800, s11  }
0x1e: {  	p2 =	sgt.s32 s15, $0xFFF  }
0x1f: {  	s15 =	smov.u32 @p2 s4;
	p2 =	sne.s32 s12, s9  }
.Ltmp1:
0x20: {  	p1 =	slt.u32 s12, $0x2;
	(pc) =	sbr.rel @!p2 .LBB2_6-.Ltmp1, $4  }
0x21: {  	s14 =	simm.s32 @!p1 $0x3  }
0x22: {  	s16 =	sadd.s32 $0x1, s12;
	_ =	swait.ge @!p1 [sflag:s14], $0x40  }
0x23: {  	s13 =	smov.u32 s11;
	p0 =	por !p0, !p0;
	[sflag:s14] =	ssyncset.done @!p1 $0x0  }
0x24: {  	s12 =	smov.u32 s16;
	s11 =	smov.u32 s15;
	[sflag:s14] =	ssyncadd.s32 @!p1 $0xFFFFFFC0  }
.LBB2_1:
0x25: {  	p1 =	sge.u32 s12, s8  }
0x26: {  	s14 =	sxor.u32 @!p1 $0xFFFFFFFF, s12  }
0x27: {  	s31 =	sadd.s32 $0xFFFFFFFF, s12;
	s15 =	sshrl.u32 @!p1 s11, $0x3;
	s14 =	sshll.u32 @!p1 s14, $0x6  }
0x28: {  	s16 =	sand.u32 @!p1 $0x7, s11;
	s15 =	sadd.s32 @!p1 s2, s15;
	s14 =	sand.u32 @!p1 $0x40, s14  }
0x29: {  	[tilespmem:s14], [sflag:$0x2] =	stream.linear.gather @!p1 [hbm4b:s15+s16], $0x40, $0x38;
	[tilespmem:$0x100] =	vst v63  }
0x2a: {  	p1 =	sge.u32 s31, s8  }
.Ltmp2:
0x2b: {  	_ = 	snop;
	(pc) =	sbr.rel @p1 .LBB2_5-.Ltmp2, $1  }
0x2c: {  	_ =	sdelay $0x3  }
0x2d: {  	s14 =	simm.s32 $0x1  }
0x2e: {  	_ =	swait.ge [sflag:s7], $0x40;
	s14 =	simm.s32 @!p0 $0x0  }
0x2f: {  	[sflag:s7] =	ssyncset.done $0x0;
	s14 =	sshll.u32 s14, $0x6  }
0x30: {  	[sflag:s7] =	ssyncadd.s32 $0xFFFFFFC0;
	(ifvalue) =	ssetifvalue $0x7FFFFFFF;
	v0 =	vld.msk [tilespmem:s14+$0x0 ss:$0x1], $0xffff;
	_ =	sdelay $0x2  }
0x31: {  	s15 =	sadd.s32 $0x10, s14  }
0x32: {  	v3 =	vld.msk [tilespmem:s15+$0x0 ss:$0x1], $0xffff  }
0x33: {  	vm1 =	veq.s32 v0, $0x80000000;
	v1 =	vand.u32 $0x1, v0;
	v0 =	vshrl.u32 v0, $0x1  }
0x34: {  	v1 =	vsel vm1, $0xFFFFFFFF, v1;
	v0 =	vand.u32 $0x7FF, v0  }
0x35: {  	v0 =	vsel vm1, $0xFFFFFFFF, v0;
	v2 =	vshrl.u32 v1, $0x1  }
0x36: {  	v2 =	vmul.u32 $0xC00, v2;
	v4 =	vshll.u32 v0, $0x1  }
0x37: {  	v1 =	vshll.u32 v1, $0x7;
	vm1 =	veq.s32 v3, $0x80000000;
	v4 =	vand.u32 $0xFFFFFF00, v4  }
0x38: {  	v1 =	vand.u32 $0x80, v1;
	v0 =	vand.u32 $0x7F, v0;
	v2 =	vadd.s32 v2, v4  }
0x39: {  	s17 =	sadd.s32 $0x10, s15;
	v1 =	vor.u32 v1, v2;
	v2 =	vand.u32 $0x1, v3;
	v3 =	vshrl.u32 v3, $0x1  }
0x3a: {  	v1 =	vor.u32 v0, v1;
	v0 =	vld.msk [tilespmem:s17+$0x0 ss:$0x1], $0xffff;
	v2 =	vsel vm1, $0xFFFFFFFF, v2;
	v3 =	vand.u32 $0x7FF, v3  }
0x3b: {  	v3 =	vsel vm1, $0xFFFFFFFF, v3;
	v63 =	vshrl.u32 v2, $0x1  }
0x3c: {  	s31 =	sshll.u32 s12, $0x6;
	v4 =	vmul.u32 $0xC00, v63;
	v5 =	vshll.u32 v3, $0x1  }
0x3d: {  	s16 =	simm.s32 $0x20;
	s15 =	sor.u32 $0x80, s14;
	s14 =	sand.u32 $0x40, s31;
	v2 =	vshll.u32 v2, $0x7;
	v5 =	vand.u32 $0xFFFFFF00, v5  }
0x3e: {  	s14 =	sor.u32 $0x80, s14;
	(ifvalue) =	ssetifvalue $0x7FFFFFFF;
	s17 =	sadd.s32 $0x10, s17;
	v2 =	vand.u32 $0x80, v2;
	v4 =	vadd.s32 v4, v5  }
0x3f: {  	[tilespmem:s15], [sflag:$0x1] =	stream.indirect_vreg.gather [hbm4b:s5+s10], $0x1, v1, vm0, $0x4038;
	vm1 =	veq.s32 v0, $0x80000000;
	v1 =	vand.u32 $0x7F, v3;
	v2 =	vor.u32 v2, v4;
	[tilespmem:$0x100] =	vst v63  }
.LBB2_3:
0x40: {  	v3 =	vand.u32 $0x1, v0;
	v4 =	vshrl.u32 v0, $0x1;
	v0 =	vld.msk [tilespmem:s17+$0x0 ss:$0x1], $0xffff;
	v1 =	vor.u32 v1, v2;
	s16 =	sadd.s32 $0x10, s16  }
0x41: {  	v2 =	vsel vm1, $0xFFFFFFFF, v3;
	v3 =	vand.u32 $0x7FF, v4;
	p1 =	slt.u32 s16, $0x30  }
.Ltmp3:
0x42: {  	v3 =	vsel vm1, $0xFFFFFFFF, v3;
	v4 =	vshrl.u32 v2, $0x1;
	(pc) =	sbr.rel @p1 .LBB2_3-.Ltmp3, $4  }
0x43: {  	v4 =	vmul.u32 $0xC00, v4;
	v5 =	vshll.u32 v3, $0x1  }
0x44: {  	s15 =	sadd.s32 $0x10, s15;
	v2 =	vshll.u32 v2, $0x7;
	v5 =	vand.u32 $0xFFFFFF00, v5;
	(ifvalue) =	ssetifvalue $0x7FFFFFFF  }
0x45: {  	v2 =	vand.u32 $0x80, v2;
	v4 =	vadd.s32 v4, v5;
	[tilespmem:s15], [sflag:$0x1] =	stream.indirect_vreg.gather [hbm4b:s5+s10], $0x1, v1, vm0, $0x4038;
	[tilespmem:$0x100] =	vst v63  }
0x46: {  	s17 =	sadd.s32 $0x10, s17;
	vm1 =	veq.s32 v0, $0x80000000;
	v1 =	vand.u32 $0x7F, v3;
	v2 =	vor.u32 v2, v4  }
.Ltmp4:
0x47: {  	_ = 	snop;
	(pc) =	sbr.rel .LBB2_4-.Ltmp4, $1  }
0x48: {  	_ =	sdelay $0x3  }
.LBB2_6:
0x49: {  	_ =	sfence.sel $0x180000  }
0x4a: {  	s2 =	simm.s32 $0x2;
	[bflag:$0x0] =	sbarrier.arrive $0xFFFF  }
0x4b: {  	s30 =	simm.s32 $0x3;
	[sflag:s2] =	ssyncpa.u1 $0x1  }
0x4c: {  	s31 =	simm.s32 $0x1;
	[sflag:s30] =	ssyncpa.u1 $0x1  }
0x4d: {  	[sflag:s31] =	ssyncpa.u1 $0x1  }
0x4e: {  	p0 =	sne.s32 s0, $0x0;
	_ =	strace $0x9000004D  }
0x4f: {  	s0 =	sadd.s32 @!p0 $0x100000, s1;
	[bflag:$0x2] =	sbarrier.arrive $0xFFFF  }
0x50: {  	[sflag:s0] =	ssyncadd.tile.s32 @!p0 $0x1;
	_ =	shalt  }
.Lfunc_end2:
_tile_overlayer_lowered:
.L_overlay_start_2:
0x51: {  	(tag) =	ssettag $0x2  }
0x52: {  	s0 =	rddreg [dreg:$0x0];
	s2 =	stileid.u32  }
0x53: {  	s1 =	rddreg [dreg:$0x1];
	p0 =	sne.s32 s2, $0x0  }
0x54: {  	s3 =	rddreg [dreg:$0x2];
	[bflag:$0x3] =	sbarrier.arrive $0xFFFF;
	s2 =	simm.s32 @!p0 $0x1C01  }
0x55: {  	[timem:s3], [sflag:s2] =	dma.local @!p0 [hbm:s0], s1  }
0x56: {  	s0 =	simm.s32 @!p0 $0x1  }
0x57: {  	_ =	swait.ge @!p0 [sflag:s0], s1  }
0x58: {  	s1 =	ssub.s32 @!p0 $0x0, s1;
	[sflag:s0] =	ssyncset.done @!p0 $0x0  }
0x59: {  	[sflag:s0] =	ssyncadd.s32 @!p0 s1  }
0x5a: {  	[bflag:$0x3] =	sbarrier.arrive $0xFFFF  }
0x5b: {  	_ =	shalt  }

// kernel: scatter_offload_async_start
scs
__scs_entry_jumppad:
0x0: {  	(pc) =	sbr.rel $0x88, $3  }
0x1: {  	(tag) =	ssettag $0x0;
	lr =	simm.s32 $0x1  }
0x2: {  	[smem:$0x3F92] =	sst lr;
	_ =	strace $0xD0000000  }
0x3: {  	_ = 	snop  }
0x4: {  	_ = 	snop  }
0x5: {  	_ = 	snop  }
0x6: {  	_ = 	snop  }
0x7: {  	_ = 	snop  }
__scs_overlays_trampoline_lowered:
0x8: {  	[smem:$0x3FA1] =	sst s0  }
0x9: {  	[smem:$0x3FA2] =	sst s1  }
0xa: {  	[smem:$0x3FA3] =	sst s2  }
0xb: {  	[smem:$0x3FA4] =	sst s3  }
0xc: {  	[smem:$0x3FA5] =	sst s4  }
0xd: {  	[smem:$0x3FA6] =	sst s5  }
0xe: {  	[smem:$0x3FA7] =	sst s6  }
0xf: {  	[smem:$0x3FA8] =	sst s7  }
0x10: {  	[smem:$0x3FA9] =	sst s8  }
0x11: {  	[smem:$0x3FAA] =	sst s9;
	s0 =	simm.s32 @!p0 $0x0  }
0x12: {  	s1 =	sld [smem:$0x3F90];
	s0 =	simm.s32 @p0 $0x1  }
0x13: {  	[smem:$0x3FAB] =	sst s0;
	s0 =	simm.s32 @!p1 $0x0  }
0x14: {  	s2 =	sld [smem:$0x3F8F];
	s0 =	simm.s32 @p1 $0x1  }
0x15: {  	[smem:$0x3FAC] =	sst s0;
	s0 =	simm.s32 @!p2 $0x0  }
0x16: {  	s3 =	sld [smem:$0x3FDB];
	s0 =	simm.s32 @p2 $0x1  }
0x17: {  	s4 =	simm.s32 $0x1BF5;
	[smem:$0x3FAE] =	sst s0  }
0x18: {  	s0 =	sld [smem:$0x3F91];
	_ =	swait.ge [sflag:s4], $0x0  }
0x19: {  	s7 =	sld [smem:$0x3F92]  }
0x1a: {  	s8 =	sadd.s32 $0xFFFFE003, lr  }
0x1b: {  	s9 =	sadd.s32 $0xFFFFFEF7, lr;
	s5 =	simm.s32 $0xFFFFFFFF;
	p2 =	slt.u32 s8, $0xFFFFF086  }
0x1c: {  	p1 =	slt.u32 s9, $0xF7A;
	s5 =	simm.s32 @!p2 $0x0  }
0x1d: {  	s5 =	simm.s32 @p1 $0x1;
	p0 =	seq.s32 s7, s2  }
0x1e: {  	s7 =	smul.u32 @!p0 $0xF7A, s2;
	p2 =	seq.s32 @!p0 s5, $0x0  }
0x1f: {  	s9 =	smul.u32 $0xF7A, s1;
	s8 =	simm.s32 @!p0 $0x1BF5;
	p2 =	por !p2, p0  }
0x20: {  	[sflag:s8] =	ssyncset.s32 @!p0 $0xFFFFF086;
	s6 =	sadd.s32 @!p0 s3, s7;
	s7 =	simm.s32 @!p0 $0x108  }
0x21: {  	s3 =	sadd.s32 s3, s9;
	s6 =	sadd.s32 @!p0 $0x88, s6;
	s7 =	simm.s32 @p2 $0x1082  }
0x22: {  	[simem:s7], [sflag:s8] =	dma.local @!p0 [hbm:s6], $0xF7A  }
0x23: {  	s9 =	sor.u32 $0xD0000000, s2;
	s6 =	simm.s32 $0x108;
	_ =	swait.ge @!p0 [sflag:s8], $0x0  }
0x24: {  	s3 =	sadd.s32 $0x88, s3;
	s6 =	simm.s32 @!p1 $0x1082;
	[sflag:s4] =	ssyncset.s32 $0xFFFFF086  }
0x25: {  	[simem:s6], [sflag:s4] =	dma.local [hbm:s3], $0xF7A  }
0x26: {  	[smem:$0x3F92] =	sst s1;
	(tag) =	ssettag s2;
	_ =	strace s9  }
0x27: {  	s1 =	sld [smem:$0x3FA2]  }
0x28: {  	s2 =	sld [smem:$0x3FA3]  }
0x29: {  	s4 =	sld [smem:$0x3FA5]  }
0x2a: {  	p0 =	seq.s32 s5, $0x0;
	s5 =	sld [smem:$0x3FA6]  }
0x2b: {  	s6 =	sld [smem:$0x3FA7]  }
0x2c: {  	s7 =	sld [smem:$0x3FA8]  }
0x2d: {  	s3 =	simm.s32 $0x108;
	s8 =	sld [smem:$0x3FA9]  }
0x2e: {  	s3 =	simm.s32 @!p0 $0x1082;
	s9 =	sld [smem:$0x3FAA]  }
0x2f: {  	lr =	sadd.s32 s0, s3;
	s0 =	sld [smem:$0x3FA1]  }
0x30: {  	s3 =	sld [smem:$0x3FA4]  }
0x31: {  	[smem:$0x3FAD] =	sst s10  }
0x32: {  	s10 =	sld [smem:$0x3FAB];
	_ =	sdelay $0x3  }
0x33: {  	p0 =	seq.s32 s10, $0x1;
	s10 =	sld [smem:$0x3FAD];
	_ =	sdelay $0x3  }
0x34: {  	[smem:$0x3FAD] =	sst s10  }
0x35: {  	s10 =	sld [smem:$0x3FAC];
	_ =	sdelay $0x3  }
0x36: {  	p1 =	seq.s32 s10, $0x1;
	s10 =	sld [smem:$0x3FAD];
	_ =	sdelay $0x3  }
0x37: {  	[smem:$0x3FAD] =	sst s10  }
0x38: {  	s10 =	sld [smem:$0x3FAE]  }
0x39: {  	_ = 	snop;
	(pc) =	sbr.ind lr, $3  }
0x3a: {  	_ = 	snop  }
0x3b: {  	_ = 	snop  }
0x3c: {  	p2 =	seq.s32 s10, $0x1;
	s10 =	sld [smem:$0x3FAD]  }
0x3d: {  	_ =	shalt  }
0x3e: {  	_ =	shalt  }
0x3f: {  	_ =	shalt  }
0x40: {  	_ =	shalt  }
0x41: {  	_ =	shalt  }
0x42: {  	_ =	shalt  }
0x43: {  	_ =	shalt  }
0x44: {  	_ =	shalt  }
0x45: {  	_ =	shalt  }
0x46: {  	_ =	shalt  }
0x47: {  	_ =	shalt  }
0x48: {  	_ =	shalt  }
0x49: {  	_ =	shalt  }
0x4a: {  	_ =	shalt  }
0x4b: {  	_ =	shalt  }
0x4c: {  	_ =	shalt  }
0x4d: {  	_ =	shalt  }
0x4e: {  	_ =	shalt  }
0x4f: {  	_ =	shalt  }
0x50: {  	_ =	shalt  }
0x51: {  	_ =	shalt  }
0x52: {  	_ =	shalt  }
0x53: {  	_ =	shalt  }
0x54: {  	_ =	shalt  }
0x55: {  	_ =	shalt  }
0x56: {  	_ =	shalt  }
0x57: {  	_ =	shalt  }
0x58: {  	_ =	shalt  }
0x59: {  	_ =	shalt  }
0x5a: {  	_ =	shalt  }
0x5b: {  	_ =	shalt  }
0x5c: {  	_ =	shalt  }
0x5d: {  	_ =	shalt  }
0x5e: {  	_ =	shalt  }
0x5f: {  	_ =	shalt  }
0x60: {  	_ =	shalt  }
0x61: {  	_ =	shalt  }
0x62: {  	_ =	shalt  }
0x63: {  	_ =	shalt  }
0x64: {  	_ =	shalt  }
0x65: {  	_ =	shalt  }
0x66: {  	_ =	shalt  }
0x67: {  	_ =	shalt  }
0x68: {  	_ =	shalt  }
0x69: {  	_ =	shalt  }
0x6a: {  	_ =	shalt  }
0x6b: {  	_ =	shalt  }
0x6c: {  	_ =	shalt  }
0x6d: {  	_ =	shalt  }
0x6e: {  	_ =	shalt  }
0x6f: {  	_ =	shalt  }
0x70: {  	_ =	shalt  }
0x71: {  	_ =	shalt  }
0x72: {  	_ =	shalt  }
0x73: {  	_ =	shalt  }
0x74: {  	_ =	shalt  }
0x75: {  	_ =	shalt  }
0x76: {  	_ =	shalt  }
0x77: {  	_ =	shalt  }
0x78: {  	_ =	shalt  }
0x79: {  	_ =	shalt  }
0x7a: {  	_ =	shalt  }
0x7b: {  	_ =	shalt  }
0x7c: {  	_ =	shalt  }
0x7d: {  	_ =	shalt  }
0x7e: {  	_ =	shalt  }
0x7f: {  	_ =	shalt  }
0x80: {  	_ =	shalt  }
0x81: {  	_ =	shalt  }
0x82: {  	_ =	shalt  }
0x83: {  	_ =	shalt  }
0x84: {  	_ =	shalt  }
0x85: {  	_ =	shalt  }
0x86: {  	_ =	shalt  }
0x87: {  	_ =	shalt  }
.Lfunc_end0:
.L_simem_size_0:
called_computation_lowered:
.L_overlay_start_0:
0x88: {  	s0 =	sld [smem:$0x3FD9]  }
0x89: {  	s1 =	sld [smem:$0x3FFE];
	_ =	sdelay $0x3  }
0x8a: {  	s0 =	sadd.s32 s1, s0  }
0x8b: {  	[smem:$0x3FB9] =	sst s0  }
0x8c: {  	_ = 	snop  }
0x8d: {  	s0 =	sld [smem:$0x3FD0];
	_ =	sdelay $0x2  }
0x8e: {  	s13 =	simm.s32 $0xB;
	s2 =	simm.s32 $0x10  }
0x8f: {  	[smem:s2], [sflag:s13] =	dma.local [hbm:s0], $0x1  }
0x90: {  	_ =	swait.eq [sflag:s13], $0x1  }
0x91: {  	[sflag:s13] =	ssyncset.done $0x0  }
0x92: {  	[sflag:s13] =	ssyncadd.s32 $0xFFFFFFFF  }
0x93: {  	s14 =	sld [smem:$0x11];
	(tm) =	ssettm $0x1  }
0x94: {  	s15 =	sld [smem:$0x3FFB];
	_ =	sdelay $0x3  }
0x95: {  	_ =	strace s15  }
0x96: {  	s1 =	sld [smem:$0x3FFC];
	_ =	sdelay $0x3  }
0x97: {  	_ =	strace s1  }
0x98: {  	s1 =	sld [smem:$0x3FFD];
	_ =	sdelay $0x3  }
0x99: {  	_ =	strace s1  }
0x9a: {  	_ =	strace $0x8FFFFFFF  }
0x9b: {  	s16 =	sld [smem:$0x3FDB];
	_ =	sdelay $0x1  }
0x9c: {  	s17 =	simm.s32 $_scs_section_size  }
0x9d: {  	s3 =	simm.s32 $_size__tile_overlayer_lowered;
	s4 =	simm.s32 $_tile_overlayer_lowered  }
0x9e: {  	s20 =	simm.s32 $0x1BFF;
	s19 =	sshll.u32 s4, $0x1;
	s1 =	sadd.s32 s17, s16  }
0x9f: {  	s5 =	simm.s32 $0x0;
	s18 =	sshll.u32 s3, $0x1;
	s3 =	sadd.s32 s19, s1  }
0xa0: {  	[timem:s5], [sflag:s20] =	dma.local [hbm:s3], s18  }
0xa1: {  	_ =	swait.ge [sflag:s20], s18  }
0xa2: {  	s2 =	ssub.s32 $0x0, s18;
	[sflag:s20] =	ssyncset.done $0x0  }
0xa3: {  	[sflag:s20] =	ssyncadd.s32 s2;
	_ =	sdelay $0x1  }
0xa4: {  	s21 =	simm.s32 $0x1B8B  }
0xa5: {  	_ =	swait.ge [sflag:s21], $0x1  }
0xa6: {  	[sflag:s21] =	ssyncset.done $0x0  }
0xa7: {  	s23 =	simm.s32 $0x1B8E;
	s22 =	sld [smem:$0x3FFE];
	[sflag:s21] =	ssyncadd.s32 $0xFFFFFFFF  }
0xa8: {  	s24 =	simm.s32 $execute0_lowered;
	[smem:$0x3FD2] =	sst s23  }
0xa9: {  	s3 =	sshll.u32 s24, $0x1;
	_ =	strace $0x80000046;
	[dreg:$0x1] =	wrdreg $0xFFFFFFFF  }
0xaa: {  	s25 =	simm.s32 $_size_execute0_lowered;
	s1 =	sadd.s32 s1, s3;
	[dreg:$0x0] =	wrdreg $0x0  }
0xab: {  	s3 =	sshll.u32 s25, $0x1;
	[dreg:$0x2] =	wrdreg s1  }
0xac: {  	[dreg:$0x3] =	wrdreg s3  }
0xad: {  	[dreg:$0x4] =	wrdreg $0xC0  }
0xae: {  	_ =	task [dreg:s5], $0x5FFFF  }
0xaf: {  	[dreg:$0x1] =	wrdreg $0xFFFFFFFF  }
0xb0: {  	[dreg:$0x0] =	wrdreg $0x60  }
0xb1: {  	[dreg:$0x2] =	wrdreg s14  }
0xb2: {  	[dreg:$0x3] =	wrdreg s22  }
0xb3: {  	[dreg:$0x4] =	wrdreg $0x9  }
0xb4: {  	_ =	task.clear_ibuf [dreg:s5], $0x5FFFF;
	_ =	strace $0x90000046  }
0xb5: {  	s26 =	simm.s32 $0x9;
	_ =	strace $0x80000048  }
0xb6: {  	_ =	swait.ge [sflag:s26], $0x1  }
0xb7: {  	[sflag:s26] =	ssyncadd.s32 $0xFFFFFFFF  }
0xb8: {  	_ =	strace $0x90000048  }
0xb9: {  	_ =	sfence  }
0xba: {  	s28 =	sld [smem:$0x0];
	_ =	sdelay $0x1  }
0xbb: {  	s29 =	srdreg.scid  }
0xbc: {  	s30 =	sshll.u32 s29, $0xD;
	s31 =	sshrl.u32 s29, $0x2  }
0xbd: {  	s2 =	sand.u32 $0x4000, s30;
	s1 =	sand.u32 $0x1, s29;
	s0 =	sadd.s32 s31, s28  }
0xbe: {  	s1 =	sor.u32 s2, s1;
	s0 =	sshll.u32 s0, $0x11  }
0xbf: {  	s0 =	sor.u32 s0, s1  }
0xc0: {  	s0 =	sadd.s32 $0x8F2B, s0  }
0xc1: {  	[sflag:s0] =	ssyncadd.remote.s32 $0x1  }
0xc2: {  	_ =	sfence.sel $0xFFFF  }
0xc3: {  	[dreg:$0x0] =	wrdreg $0xFFFFFFFF;
	(pc) =	sbr.abs _section_cstart, $3  }
0xc4: {  	[dreg:$0x1] =	wrdreg $0xFFFFFFFF  }
0xc5: {  	_ =	task.clear_ibuf [dreg:s5], $0x2FFFF;
	_ =	strace $0x9FFFFFFF  }
0xc6: {  	(tm) =	ssettm $0x7FFFFFFF  }
0xc7: {  	_ =	shalt  }
tec
execute0_lowered:
.L_overlay_start_1:
0x0: {  	(tag) =	ssettag $0x1  }
0x1: {  	s1 =	rddreg [dreg:$0x0]  }
0x2: {  	s0 =	rddreg [dreg:$0x1];
	_ =	strace $0x80000047;
	s3 =	simm.s32 $0x1  }
0x3: {  	v1 =	vimm.s32 $0xFFFFFFFF;
	[sflag:s3] =	ssyncpa.u1 $0x0  }
0x4: {  	[tilespmem:$0x10] =	vst v1  }
0x5: {  	v0 =	vimm.f32 $0.0e+00;
	[tilespmem:$0x20] =	vst v1  }
0x6: {  	s26 =	simm.s32 $0x2;
	s2 =	stileid.u32;
	[tilespmem:$0x30] =	vst v0  }
0x7: {  	s7 =	simm.s32 $0x7;
	s9 =	simm.s32 $0x8;
	s29 =	simm.s32 $0x9;
	[tilespmem:$0x40] =	vst v0  }
0x8: {  	s14 =	simm.s32 $0x0;
	s15 =	simm.s32 $0x100;
	s23 =	simm.s32 $0x240;
	[tilespmem:$0x50] =	vst v0  }
0x9: {  	s28 =	simm.s32 $0xF;
	s30 =	simm.s32 $0x1FF;
	s31 =	simm.s32 $0x20;
	[tilespmem:$0x60] =	vst v1  }
0xa: {  	s16 =	simm.s32 $0x2E0;
	s17 =	simm.s32 $0x2F0;
	s18 =	simm.s32 $0x30;
	[tilespmem:$0x70] =	vst v1  }
0xb: {  	s19 =	simm.s32 $0x2FF;
	s20 =	simm.s32 $0x80;
	s24 =	simm.s32 $0x0;
	[tilespmem:$0x80] =	vst v1  }
0xc: {  	s22 =	simm.s32 $0x0;
	s4 =	sadd.s32 $0x61400, s0;
	s5 =	sadd.s32 $0x200, s0;
	v1 =	vimm.s32 $0x0;
	[tilespmem:$0xB0] =	vst v0  }
.Ltmp0:
0xd: {  	s21 =	sshll.u32 s2, $0x6;
	s10 =	sshll.u32 s2, $0x1;
	[tilespmem:$0x90] =	vst v1;
	(pc) =	sbr.rel .LBB2_1-.Ltmp0, $4  }
0xe: {  	s12 =	sshllo.u32 s2, $0x1;
	s0 =	simm.s32 $0x2C0;
	[tilespmem:$0xA0] =	vst v1;
	[sflag:s26] =	ssyncpa.u1 $0x0  }
0xf: {  	s2 =	simm.s32 $0x2D0;
	s8 =	sadd.s32 $0x40, s21;
	[sflag:s7] =	ssyncpa.u1 $0x0  }
0x10: {  	vm0 =	vmmov $0xffff;
	v2 =	vlaneseq.u32;
	s11 =	sor.u32 $0x81, s10;
	s13 =	sor.u32 $0x80, s10;
	[sflag:s9] =	ssyncpa.u1 $0x0  }
0x11: {  	vm1 =	vmxor vm1, vm1;
	vm2 =	vmmov $0x1;
	vm3 =	vcmask $0x3F3C;
	s6 =	smov.u32 s21;
	s26 =	simm.s32 $0x340;
	[sflag:s29] =	ssyncpa.u1 $0x0  }
.LBB2_7:
0x12: {  	_ =	swait.ge [sflag:s7], $0x40  }
0x13: {  	[sflag:s7] =	ssyncset.done $0x0  }
0x14: {  	[sflag:s7] =	ssyncadd.s32 $0xFFFFFFC0;
	(ifvalue) =	ssetifvalue $0xFFFFFFFF;
	v3 =	vld.msk [tilespmem:s15+$0x0 ss:$0x1], $0xffff;
	_ =	sdelay $0x4  }
0x15: {  	v4 =	vperm.xlane v3, v1  }
0x16: {  	vm4 =	vlt.u32 v3, $0x800  }
0x17: {  	v3 =	vnsel vm4, $0xFFFFFFFE, v3;
	vm4 =	vlt.u32 v4, $0x800  }
0x18: {  	[tilespmem:$0x70] =	vst v3;
	v3 =	vnsel vm4, $0xFFFFFFFE, v4  }
0x19: {  	s25 =	simm.s32 $0x130;
	[tilespmem:$0x80] =	vst v3  }
0x1a: {  	v3 =	vld.msk [tilespmem:s25+$0x0 ss:$0x1], $0xffff;
	_ =	sdelay $0x4  }
0x1b: {  	(xrf1) =	vunique.msk.u32 $0xffff, v3;
	_ =	sdelay $0xd  }
0x1c: {  	v59, _, _ =	vpop (xrf1)  }
0x1d: {  	vm4 =	vlt.u32 v3, $0x800;
	vm5 =	veq.s32 v59, v2  }
0x1e: {  	vm5 =	vmand vm4, vm5  }
0x1f: {  	v60 =	vnsel vm5, $0xFFFFFFFF, v3;
	_ =	sdelay $0x3  }
0x20: {  	s29 =	simm.s32 $0x1F0;
	(ifvalue) =	ssetifvalue $0xFFFFFFFF  }
0x21: {  	v4 =	vnsel vm4, $0xFFFFFFFE, v60;
	[tilespmem:s29], [sflag:$0x8] =	stream.indirect_vreg.gather [hbm4b:s1+s14], $0x1, v60, vm0, $0x4038;
	[tilespmem:$0x360] =	vst v63  }
0x22: {  	s29 =	simm.s32 $0x120;
	[tilespmem:$0x130] =	vst v4  }
0x23: {  	v4 =	vld.msk [tilespmem:s29+$0x0 ss:$0x1], $0xffff;
	_ =	sdelay $0x4  }
0x24: {  	(xrf1) =	vunique.msk.u32 $0xffff, v4;
	_ =	sdelay $0xc  }
0x25: {  	v3 =	vperm.xlane v3, v1  }
0x26: {  	v5, _, _ =	vpop (xrf1)  }
0x27: {  	vm5 =	vne.s32 v4, v3;
	vm4 =	veq.s32 v5, v2  }
0x28: {  	vm6 =	vlt.u32 v4, $0x800;
	vm4 =	vmand vm5, vm4  }
0x29: {  	vm4 =	vmand vm6, vm4  }
0x2a: {  	v3 =	vnsel vm4, $0xFFFFFFFF, v4;
	_ =	sdelay $0x3  }
0x2b: {  	s29 =	simm.s32 $0x1E0;
	(ifvalue) =	ssetifvalue $0xFFFFFFFF  }
0x2c: {  	[tilespmem:s29], [sflag:$0x8] =	stream.indirect_vreg.gather [hbm4b:s1+s14], $0x1, v3, vm0, $0x4038;
	v3 =	vnsel vm6, $0xFFFFFFFE, v3;
	[tilespmem:$0x360] =	vst v63  }
0x2d: {  	s29 =	simm.s32 $0x110;
	[tilespmem:$0x120] =	vst v3  }
0x2e: {  	v3 =	vld.msk [tilespmem:s29+$0x0 ss:$0x1], $0xffff;
	_ =	sdelay $0x4  }
0x2f: {  	(xrf1) =	vunique.msk.u32 $0xffff, v3;
	_ =	sdelay $0xc  }
0x30: {  	v4 =	vperm.xlane v4, v1  }
0x31: {  	v61, _, _ =	vpop (xrf1)  }
0x32: {  	vm5 =	vne.s32 v3, v4;
	vm4 =	veq.s32 v61, v2  }
0x33: {  	vm14 =	vlt.u32 v3, $0x800;
	vm4 =	vmand vm5, vm4  }
0x34: {  	vm4 =	vmand vm14, vm4  }
0x35: {  	v62 =	vnsel vm4, $0xFFFFFFFF, v3;
	_ =	sdelay $0x3  }
0x36: {  	s29 =	simm.s32 $0x1D0;
	(ifvalue) =	ssetifvalue $0xFFFFFFFF  }
0x37: {  	v4 =	vnsel vm14, $0xFFFFFFFE, v62;
	[tilespmem:s29], [sflag:$0x8] =	stream.indirect_vreg.gather [hbm4b:s1+s14], $0x1, v62, vm0, $0x4038;
	[tilespmem:$0x360] =	vst v63  }
0x38: {  	[tilespmem:$0x110] =	vst v4  }
0x39: {  	v4 =	vld.msk [tilespmem:s15+$0x0 ss:$0x1], $0xffff;
	_ =	sdelay $0x4  }
0x3a: {  	(xrf1) =	vunique.msk.u32 $0xffff, v4;
	_ =	sdelay $0xc  }
0x3b: {  	v3 =	vperm.xlane v3, v1  }
0x3c: {  	v63, _, _ =	vpop (xrf1)  }
0x3d: {  	vm5 =	vne.s32 v4, v3;
	vm4 =	veq.s32 v63, v2  }
0x3e: {  	vm15 =	vlt.u32 v4, $0x800;
	vm4 =	vmand vm5, vm4  }
0x3f: {  	vm4 =	vmand vm15, vm4  }
0x40: {  	v3 =	vnsel vm4, $0xFFFFFFFF, v4;
	_ =	sdelay $0x3  }
0x41: {  	s24 =	sshrl.u32 s24, $0x3;
	s29 =	simm.s32 $0x1C0;
	(ifvalue) =	ssetifvalue $0xFFFFFFFF  }
0x42: {  	[tilespmem:s29], [sflag:$0x8] =	stream.indirect_vreg.gather [hbm4b:s1+s14], $0x1, v3, vm0, $0x4038;
	v3 =	vnsel vm15, $0xFFFFFFFE, v3;
	[tilespmem:$0x360] =	vst v63  }
0x43: {  	s24 =	sadd.s32 s5, s24;
	[tilespmem:$0x100] =	vst v3  }
0x44: {  	[tilespmem:s23], [sflag:$0x8] =	stream.linear.gather [hbm:s24], $0x40, $0x38;
	[tilespmem:$0x360] =	vst v63  }
.LBB2_8:
0x45: {  	s24 =	sadd.s32 $0x40, s6  }
0x46: {  	s25 =	smov.u32 s21;
	s22 =	sadd.s32 $0x1, s22;
	p0 =	slt.s32 s24, s8  }
0x47: {  	s25 =	smov.u32 @p0 s24;
	p0 =	sne.s32 s22, $0x4  }
.Ltmp1:
0x48: {  	_ = 	snop;
	(pc) =	sbr.rel @!p0 .LBB2_9-.Ltmp1, $2  }
0x49: {  	_ =	sdelay $0x2  }
0x4a: {  	s24 =	smov.u32 s6;
	s6 =	smov.u32 s25  }
.LBB2_1:
0x4b: {  	p0 =	sgt.s32 s22, $0x1  }
.Ltmp2:
0x4c: {  	_ = 	snop;
	(pc) =	sbr.rel @p0 .LBB2_5-.Ltmp2, $1  }
0x4d: {  	_ =	sdelay $0x3  }
0x4e: {  	p0 =	seq.s32 s22, $0x0  }
.Ltmp3:
0x4f: {  	_ = 	snop;
	(pc) =	sbr.rel @!p0 .LBB2_7-.Ltmp3, $1  }
0x50: {  	_ =	sdelay $0x3  }
.Ltmp4:
0x51: {  	(pc) =	sbr.rel .LBB2_8-.Ltmp4, $4  }
0x52: {  	_ = 	snop  }
0x53: {  	s24 =	sshrl.u32 s6, $0x3  }
0x54: {  	s25 =	sand.u32 $0x7, s6;
	s24 =	sadd.s32 s4, s24  }
0x55: {  	[tilespmem:s15], [sflag:$0x7] =	stream.linear.gather [hbm4b:s24+s25], $0x40, $0x38;
	[tilespmem:$0x360] =	vst v63  }
.LBB2_5:
0x56: {  	p0 =	seq.s32 s22, $0x2  }
.Ltmp5:
0x57: {  	_ = 	snop;
	(pc) =	sbr.rel @!p0 .LBB2_6-.Ltmp5, $1  }
0x58: {  	_ =	sdelay $0x3  }
0x59: {  	_ =	swait.ge [sflag:s9], $0x80  }
0x5a: {  	[sflag:s9] =	ssyncset.done $0x0  }
0x5b: {  	s24 =	simm.s32 $0x13F;
	[sflag:s9] =	ssyncadd.s32 $0xFFFFFF80  }
0x5c: {  	[spmem:s11] =	stream.linear.scatter [tilespmem:s24], [sflag:$0x1], $0x1, $0x38;
	[tilespmem:$0x360] =	vst v63  }
0x5d: {  	_ =	swait.ge [sflag:s3], $0x1  }
0x5e: {  	[sflag:s3] =	ssyncset.done $0x0  }
0x5f: {  	[sflag:s3] =	ssyncadd.s32 $0xFFFFFFFF  }
0x60: {  	v3 =	vld [tilespmem:$0x10]  }
0x61: {  	v4 =	vld [tilespmem:$0x70]  }
0x62: {  	v5 =	vld [tilespmem:$0x80];
	_ =	sdelay $0x2  }
0x63: {  	(v2sf) =	vpush v3, $0x0  }
0x64: {  	(v2sf) =	vpush v4, $0x0  }
0x65: {  	(v2sf) =	vpush v5, $0x0;
	_ =	sdelay $0xc  }
0x66: {  	s25 =	spop (v2sf)  }
0x67: {  	s29 =	spop (v2sf)  }
0x68: {  	s24 =	spop (v2sf)  }
0x69: {  	p0 =	seq.s32 s25, s29;
	p1 =	seq.s32 s24, s25  }
0x6a: {  	p1 =	por p0, p1  }
0x6b: {  	s29 =	simm.s32 $0x10;
	v3 =	vpsel p1, $0xFFFFFFFF, v3  }
0x6c: {  	[tilespmem:s29+$0x0] =	vst.msk $0x1, v3  }
0x6d: {  	v3 =	vld [tilespmem:$0x30]  }
0x6e: {  	v48 =	vld [tilespmem:$0x240]  }
0x6f: {  	v6 =	vld [tilespmem:$0x40];
	_ =	sdelay $0x3  }
0x70: {  	vm4 =	vmmov vm1;
	v4 =	vadd.f32 v48, v3  }
0x71: {  	vm5 =	vmmov vm2;
	vm4 =	vmmov @p0 vm2;
	v3 =	vadd.f32 v6, v3  }
0x72: {  	vm5 =	vmmov @p1 vm1;
	[tilespmem:s23+$0x0] =	vst.msk vm4, v4  }
0x73: {  	[tilespmem:s26+$0x0] =	vst.msk vm5, v3  }
0x74: {  	v3 =	vld [tilespmem:$0x1F0];
	_ =	sdelay $0x4  }
0x75: {  	v3 =	vshift.insert v3, v0, s28  }
0x76: {  	s29 =	simm.s32 $0x50  }
0x77: {  	[tilespmem:s29+$0x0] =	vst.msk $0x1, v3  }
0x78: {  	[tilespmem:s30+$0x0] =	vst.msk $0x1, v0  }
0x79: {  	v3 =	vld [tilespmem:$0x130];
	_ =	sdelay $0x4  }
0x7a: {  	v3 =	vshift.insert v3, v1, s28;
	_ =	sdelay $0x1  }
0x7b: {  	[tilespmem:s31+$0x0] =	vst.msk $0x1, v3  }
0x7c: {  	v4 =	vld [tilespmem:$0x240]  }
0x7d: {  	v49 =	vld [tilespmem:$0x100];
	_ =	sdelay $0x3  }
0x7e: {  	v4 =	vadd.f32 $0.0e+00, v4  }
0x7f: {  	vm5 =	vne.s32 v49, $0xFFFFFFFF  }
0x80: {  	(xrf2) =	vadd.seg.scan.f32 vm5, v4;
	_ =	sdelay $0x3  }
0x81: {  	v50 =	vperm.xlane v3, v1  }
0x82: {  	v7 =	vld [tilespmem:$0x1C0]  }
0x83: {  	vm4 =	veq.s32 v49, v5;
	vm6 =	veq.s32 v49, v50  }
0x84: {  	vm7 =	vgt.u32 v49, $0xFFFFFFFD;
	vm6 =	vmor vm6, vm4  }
0x85: {  	vm6 =	vmor vm6, vm7  }
0x86: {  	v6 =	vsel vm6, $0xFFFFFFFF, v49  }
0x87: {  	v7 =	vsel vm4, $0x0, v7;
	v8, _, _ =	vpop (xrf2)  }
0x88: {  	v7 =	vadd.f32 v8, v7  }
0x89: {  	v9 =	vld [tilespmem:$0xA0]  }
0x8a: {  	v10 =	vld [tilespmem:$0x90];
	[tilespmem:$0x2C0] =	vst v7;
	(ifvalue) =	ssetifvalue $0xFFFFFFFF  }
0x8b: {  	[hbm4b:s1+s14] =	stream.indirect_vreg.scatter [tilespmem:s0], [sflag:$0x2], $0x1, v6, vm0, $0x4038;
	[tilespmem:$0x360] =	vst v63  }
0x8c: {  	v6 =	vld [tilespmem:$0x250]  }
0x8d: {  	vm5 =	vmand vm5, vm3;
	v51 =	vld [tilespmem:$0x110]  }
0x8e: {  	v11 =	vsel vm5, $0x0, v8  }
0x8f: {  	v11 =	vshift.insert v11, v0, s28;
	_ =	sdelay $0x1  }
0x90: {  	v6 =	vadd.f32 v6, v11  }
0x91: {  	vm12 =	vne.s32 v51, $0xFFFFFFFF  }
0x92: {  	(xrf2) =	vadd.seg.scan.f32 vm12, v6;
	_ =	sdelay $0x4  }
0x93: {  	v52 =	vld [tilespmem:$0x1D0]  }
0x94: {  	vm5 =	veq.s32 v51, v5;
	vm13 =	veq.s32 v51, v50  }
0x95: {  	vm8 =	vgt.u32 v51, $0xFFFFFFFD;
	vm7 =	vmor vm13, vm5  }
0x96: {  	vm7 =	vmor vm7, vm8  }
0x97: {  	v7 =	vsel vm7, $0xFFFFFFFF, v51  }
0x98: {  	v6 =	vsel vm5, $0x0, v52;
	v53, _, _ =	vpop (xrf2)  }
0x99: {  	v6 =	vadd.f32 v53, v6;
	_ =	sdelay $0x1  }
0x9a: {  	[tilespmem:$0x2D0] =	vst v6;
	(ifvalue) =	ssetifvalue $0xFFFFFFFF  }
0x9b: {  	[hbm4b:s1+s14] =	stream.indirect_vreg.scatter [tilespmem:s2], [sflag:$0x2], $0x1, v7, vm0, $0x4038;
	[tilespmem:$0x360] =	vst v63  }
0x9c: {  	v54 =	vld [tilespmem:$0x260]  }
0x9d: {  	vm6 =	vmand vm12, vm3;
	v7 =	vld [tilespmem:$0x120]  }
0x9e: {  	v12 =	vsel vm6, $0x0, v53  }
0x9f: {  	v12 =	vshift.insert v12, v0, s28;
	_ =	sdelay $0x1  }
0xa0: {  	v6 =	vadd.f32 v54, v12  }
0xa1: {  	vm14 =	vne.s32 v7, $0xFFFFFFFF  }
0xa2: {  	(xrf2) =	vadd.seg.scan.f32 vm14, v6;
	_ =	sdelay $0x4  }
0xa3: {  	v55 =	vld [tilespmem:$0x1E0]  }
0xa4: {  	vm6 =	veq.s32 v7, v5;
	vm15 =	veq.s32 v7, v50  }
0xa5: {  	vm9 =	vgt.u32 v7, $0xFFFFFFFD;
	vm8 =	vmor vm15, vm6  }
0xa6: {  	vm8 =	vmor vm8, vm9  }
0xa7: {  	v7 =	vsel vm8, $0xFFFFFFFF, v7  }
0xa8: {  	v6 =	vsel vm6, $0x0, v55;
	v56, _, _ =	vpop (xrf2)  }
0xa9: {  	v6 =	vadd.f32 v56, v6;
	_ =	sdelay $0x1  }
0xaa: {  	[tilespmem:$0x2E0] =	vst v6;
	(ifvalue) =	ssetifvalue $0xFFFFFFFF  }
0xab: {  	[hbm4b:s1+s14] =	stream.indirect_vreg.scatter [tilespmem:s16], [sflag:$0x2], $0x1, v7, vm0, $0x4038;
	[tilespmem:$0x360] =	vst v63  }
0xac: {  	v57 =	vld [tilespmem:$0x270]  }
0xad: {  	vm7 =	vmand vm14, vm3;
	v7 =	vld [tilespmem:$0x130]  }
0xae: {  	v13 =	vsel vm7, $0x0, v56  }
0xaf: {  	v13 =	vshift.insert v13, v0, s28;
	_ =	sdelay $0x1  }
0xb0: {  	v6 =	vadd.f32 v57, v13  }
0xb1: {  	vm11 =	vne.s32 v7, $0xFFFFFFFF  }
0xb2: {  	(xrf2) =	vadd.seg.scan.f32 vm11, v6;
	_ =	sdelay $0x4  }
0xb3: {  	v58 =	vld [tilespmem:$0x1F0]  }
0xb4: {  	vm12 =	veq.s32 v7, v5;
	vm13 =	veq.s32 v7, v50  }
0xb5: {  	vm14 =	vgt.u32 v7, $0xFFFFFFFD;
	vm8 =	vmor vm13, vm12  }
0xb6: {  	vm8 =	vmor vm8, vm14  }
0xb7: {  	v59 =	vsel vm8, $0xFFFFFFFF, v7  }
0xb8: {  	v6 =	vsel vm12, $0x0, v58;
	v60, _, _ =	vpop (xrf2)  }
0xb9: {  	v6 =	vadd.f32 v60, v6;
	_ =	sdelay $0x1  }
0xba: {  	[tilespmem:$0x2F0] =	vst v6;
	(ifvalue) =	ssetifvalue $0xFFFFFFFF  }
0xbb: {  	[hbm4b:s1+s14] =	stream.indirect_vreg.scatter [tilespmem:s17], [sflag:$0x2], $0x1, v59, vm0, $0x4038;
	[tilespmem:$0x360] =	vst v63  }
0xbc: {  	v4 =	vld [tilespmem:$0x2F0];
	_ =	sdelay $0x2  }
0xbd: {  	vm15 =	veq.s32 v9, $0x1  }
0xbe: {  	v61 =	vsel vm4, v8, v10;
	vm4 =	vmor vm15, vm4  }
0xbf: {  	vm4 =	vmor vm4, vm5;
	v6 =	vsel vm5, v53, v61;
	v4 =	vshift.insert v4, v0, s28  }
0xc0: {  	vm4 =	vmor vm4, vm6;
	v6 =	vsel vm6, v56, v6  }
0xc1: {  	vm4 =	vmor vm4, vm12;
	v5 =	vsel vm12, v60, v6;
	[tilespmem:s18+$0x0] =	vst.msk $0x1, v4  }
0xc2: {  	v62 =	vsel vm4, $0x1, v1;
	[tilespmem:$0x90] =	vst v5  }
0xc3: {  	[tilespmem:$0xA0] =	vst v62  }
0xc4: {  	[spmem:s12] =	stream.linear.scatter [tilespmem:s19], [sflag:$0x1], $0x1, $0x38;
	[tilespmem:$0x360] =	vst v63  }
0xc5: {  	v63 =	vmctz.xlane vm4;
	_ =	swait.ge [sflag:s3], $0x1  }
0xc6: {  	(v2sf) =	vpush v3, $0x0  }
0xc7: {  	(v2sf) =	vpush v63, $0x0;
	_ =	sdelay $0xd  }
0xc8: {  	s25 =	spop (v2sf)  }
0xc9: {  	s29 =	spop (v2sf)  }
0xca: {  	[sflag:s3] =	ssyncset.done $0x0;
	p0 =	sne.s32 s24, s25;
	p1 =	slt.s32 s29, $0xF  }
0xcb: {  	[sflag:s3] =	ssyncadd.s32 $0xFFFFFFFF;
	v3 =	vimm.s32 @!p0 $0xFFFFFFFF;
	s29 =	simm.s32 @!p1 $0xF  }
0xcc: {  	[tilespmem:$0x80] =	vst @!p0 v3;
	s29 =	sadd.s32 $0x90, s29  }
0xcd: {  	[spmem:s10] =	stream.linear.scatter [tilespmem:s29], [sflag:$0x1], $0x1, $0x38;
	[tilespmem:$0x360] =	vst v63  }
0xce: {  	_ =	swait.ge [sflag:s3], $0x1  }
0xcf: {  	[sflag:s3] =	ssyncset.done $0x0  }
0xd0: {  	[sflag:s3] =	ssyncadd.s32 $0xFFFFFFFF  }
0xd1: {  	[spmem:s13] =	stream.linear.scatter [tilespmem:s20], [sflag:$0x1], $0x1, $0x38;
	[tilespmem:$0x360] =	vst v63  }
0xd2: {  	_ =	swait.ge [sflag:s3], $0x1  }
0xd3: {  	[sflag:s3] =	ssyncset.done $0x0  }
0xd4: {  	[sflag:s3] =	ssyncadd.s32 $0xFFFFFFFF;
	(ifvalue) =	ssetifvalue $0xFFFFFFFF;
	v3 =	vld [tilespmem:$0x10];
	_ =	sdelay $0x3  }
.Ltmp6:
0xd5: {  	_ = 	snop;
	(pc) =	sbr.rel .LBB2_8-.Ltmp6, $3  }
0xd6: {  	_ =	sdelay $0x1  }
0xd7: {  	(ifvalue) =	ssetifvalue $0xFFFFFFFF  }
0xd8: {  	[hbm4b:s1+s14] =	stream.indirect_vreg.scatter [tilespmem:s26], [sflag:$0x9], $0x1, v3, vm0, $0x4038;
	[tilespmem:$0x360] =	vst v63  }
.LBB2_6:
0xd9: {  	s0 =	simm.s32 $0x2  }
0xda: {  	_ =	swait.ge [sflag:s0], $0x40  }
0xdb: {  	[sflag:s0] =	ssyncset.done $0x0  }
0xdc: {  	s31 =	simm.s32 $0x9;
	[sflag:s0] =	ssyncadd.s32 $0xFFFFFFC0  }
0xdd: {  	_ =	swait.ge [sflag:s31], $0x10  }
0xde: {  	[sflag:s31] =	ssyncset.done $0x0  }
0xdf: {  	[sflag:s31] =	ssyncadd.s32 $0xFFFFFFF0  }
.LBB2_9:
0xe0: {  	_ =	sfence.sel $0x180000  }
0xe1: {  	s0 =	simm.s32 $0x7;
	[bflag:$0x0] =	sbarrier.arrive $0xFFFF  }
0xe2: {  	s26 =	simm.s32 $0x8;
	[sflag:s0] =	ssyncpa.u1 $0x1  }
0xe3: {  	s28 =	simm.s32 $0x9;
	[sflag:s26] =	ssyncpa.u1 $0x1  }
0xe4: {  	[sflag:s28] =	ssyncpa.u1 $0x1  }
0xe5: {  	_ =	sfence.stream.spmem  }
0xe6: {  	s29 =	simm.s32 $0x3;
	[bflag:$0x0] =	sbarrier.arrive $0xFFFF  }
0xe7: {  	s30 =	simm.s32 $0x4;
	[sflag:s29] =	ssyncpa.u1 $0x1  }
0xe8: {  	s31 =	simm.s32 $0x3C;
	s2 =	stileid.u32;
	[sflag:s30] =	ssyncpa.u1 $0x1  }
0xe9: {  	p0 =	sne.s32 s2, $0x0;
	[sflag:s31] =	ssyncpa.u1 $0x1  }
0xea: {  	s0 =	simm.s32 @p0 $0x1;
	_ =	sfence @p0  }
0xeb: {  	[sflag:s0] =	ssyncpa.u1 @p0 $0x1;
	s0 =	simm.s32 @p0 $0x2  }
0xec: {  	[sflag:s0] =	ssyncpa.u1 @p0 $0x1  }
0xed: {  	_ =	strace @p0 $0x90000047  }
0xee: {  	[bflag:$0x2] =	sbarrier.arrive @p0 $0xFFFF  }
0xef: {  	_ =	shalt @p0  }
.LBB2_10:
0xf0: {  	_ =	sfence.stream.spmem;
	s3 =	simm.s32 $0x5  }
0xf1: {  	s0 =	simm.s32 $0x80;
	s2 =	simm.s32 $0xC0;
	[sflag:s3] =	ssyncpa.u1 $0x0  }
0xf2: {  	[tilespmem:s2], [sflag:$0x5] =	stream.linear.gather [spmem:s0], $0x20, $0x38;
	[tilespmem:$0x360] =	vst v63  }
0xf3: {  	s0 =	simm.s32 $0x0;
	s2 =	simm.s32 $0xE0  }
0xf4: {  	[tilespmem:s2], [sflag:$0x5] =	stream.linear.gather [spmem:s0], $0x20, $0x38;
	[tilespmem:$0x360] =	vst v63  }
.Ltmp7:
0xf5: {  	_ = 	snop;
	(pc) =	sbr.rel .LBB2_11-.Ltmp7, $4  }
0xf6: {  	_ =	swait.ge [sflag:s3], $0x40  }
0xf7: {  	[sflag:s3] =	ssyncset.done $0x0  }
0xf8: {  	s31 =	simm.s32 $0x6;
	[sflag:s3] =	ssyncadd.s32 $0xFFFFFFC0  }
0xf9: {  	s3 =	simm.s32 $0x0;
	[sflag:s31] =	ssyncpa.u1 $0x0  }
.LBB2_16:
0xfa: {  	p0 =	sgt.u32 s4, $0x7FF  }
0xfb: {  	s5 =	sshrl.u32 @!p0 s4, $0x3  }
0xfc: {  	s4 =	sand.u32 @!p0 $0x7, s4;
	s6 =	simm.s32 @!p0 $0xB0;
	s5 =	sadd.s32 @!p0 s1, s5  }
0xfd: {  	[tilespmem:s6], [sflag:$0x6] =	stream.linear.gather @!p0 [hbm4b:s5+s4], $0x1, $0x38;
	[tilespmem:$0x360] =	vst v63  }
0xfe: {  	s4 =	simm.s32 @!p0 $0x6  }
0xff: {  	_ =	swait.ge @!p0 [sflag:s4], $0x1  }
0x100: {  	[sflag:s4] =	ssyncset.done @!p0 $0x0  }
0x101: {  	[sflag:s4] =	ssyncadd.s32 @!p0 $0xFFFFFFFF  }
0x102: {  	v2 =	vmov @!p0 s3;
	v1 =	vld.msk @!p0 [tilespmem:$0xB0], $0x1;
	_ =	sdelay $0x3  }
0x103: {  	s4 =	simm.s32 @!p0 $0xE0  }
0x104: {  	[tilespmem:v2+s4+$0x0], v1 =	vst.idx.ret.add.f32.msk @!p0 $0x1, v1  }
0x105: {  	[tilespmem:s0+$0xC0] =	vst.msk $0x1, v0  }
0x106: {  	v0 =	vld.msk [tilespmem:s3+$0xE0], $0x1;
	_ =	sdelay $0x4  }
0x107: {  	[tilespmem:s0+$0xE0] =	vst.msk $0x1, v0;
	s0 =	sadd.s32 $0x1, s0  }
.LBB2_18:
0x108: {  	s3 =	sadd.s32 $0x1, s3  }
0x109: {  	p0 =	sne.s32 s3, $0x20  }
.Ltmp8:
0x10a: {  	_ = 	snop;
	(pc) =	sbr.rel @!p0 .LBB2_19-.Ltmp8, $1  }
0x10b: {  	_ =	sdelay $0x3  }
.LBB2_11:
0x10c: {  	v0 =	vld.msk [tilespmem:s3+$0xC0], $0x1;
	_ =	sdelay $0x4  }
0x10d: {  	(v2sf) =	vpush v0, $0x0;
	_ =	sdelay $0xe  }
0x10e: {  	s4 =	spop (v2sf)  }
0x10f: {  	p0 =	seq.s32 s4, $0xFFFFFFFF  }
.Ltmp9:
0x110: {  	_ = 	snop;
	(pc) =	sbr.rel @p0 .LBB2_18-.Ltmp9, $1  }
0x111: {  	_ =	sdelay $0x3  }
0x112: {  	p0 =	slt.s32 s0, $0x1  }
.Ltmp10:
0x113: {  	_ = 	snop;
	(pc) =	sbr.rel @p0 .LBB2_16-.Ltmp10, $1  }
0x114: {  	_ =	sdelay $0x3  }
0x115: {  	s5 =	simm.s32 $0xC0;
	p0 =	por $0x0, $0x0  }
0x116: {  	v1 =	vld.msk @!p0 [tilespmem:s5+$0x0], $0x1;
	_ =	sdelay $0x4  }
0x117: {  	(v2sf) =	vpush @!p0 v1, $0x0;
	_ =	sdelay $0xd  }
0x118: {  	p2 =	sne.s32 s0, $0x1  }
.Ltmp11:
0x119: {  	s6 =	spop @!p0 (v2sf);
	(pc) =	sbr.rel @!p2 .LBB2_15-.Ltmp11, $4  }
0x11a: {  	p1 =	seq.s32 @!p0 s4, s6  }
0x11b: {  	s6 =	simm.s32 $0x0;
	p1 =	por !p1, p0  }
0x11c: {  	s8 =	simm.s32 $0xFFFFFFFF;
	s6 =	simm.s32 @p1 $0xFFFFFFFF  }
0x11d: {  	s7 =	simm.s32 $0x1;
	s6 =	smov.u32 @p0 s8  }
.LBB2_14:
0x11e: {  	s8 =	smov.u32 s6;
	p0 =	sne.s32 s6, $0xFFFFFFFF  }
0x11f: {  	s5 =	sadd.s32 $0x1, s5;
	s6 =	smov.u32 s7;
	s7 =	sadd.s32 $0x1, s7  }
0x120: {  	p1 =	sne.s32 s0, s7;
	v1 =	vld.msk @!p0 [tilespmem:s5+$0x0], $0x1;
	_ =	sdelay $0x4  }
0x121: {  	(v2sf) =	vpush @!p0 v1, $0x0;
	_ =	sdelay $0xe  }
.Ltmp12:
0x122: {  	s9 =	spop @!p0 (v2sf);
	(pc) =	sbr.rel @p1 .LBB2_14-.Ltmp12, $4  }
0x123: {  	p2 =	seq.s32 @!p0 s4, s9  }
0x124: {  	p2 =	por !p2, p0  }
0x125: {  	s6 =	simm.s32 @p2 $0xFFFFFFFF  }
0x126: {  	s6 =	smov.u32 @p0 s8  }
.LBB2_15:
0x127: {  	p0 =	sne.s32 s6, $0xFFFFFFFF  }
.Ltmp13:
0x128: {  	_ = 	snop;
	(pc) =	sbr.rel @!p0 .LBB2_16-.Ltmp13, $1  }
0x129: {  	_ =	sdelay $0x3  }
0x12a: {  	v0 =	vld.msk [tilespmem:s3+$0xE0], $0x1;
	v1 =	vmov s6  }
.Ltmp14:
0x12b: {  	_ = 	snop;
	(pc) =	sbr.rel .LBB2_18-.Ltmp14, $2  }
0x12c: {  	_ =	sdelay $0x2  }
0x12d: {  	[tilespmem:v1+s2+$0x0], v0 =	vst.idx.ret.add.f32.msk $0x1, v0  }
.LBB2_19:
0x12e: {  	p0 =	slt.s32 s0, $0x1  }
.Ltmp15:
0x12f: {  	_ = 	snop;
	(pc) =	sbr.rel @p0 .LBB2_23-.Ltmp15, $3  }
0x130: {  	_ =	sdelay $0x1  }
0x131: {  	s2 =	simm.s32 $0x6  }
0x132: {  	[sflag:s2] =	ssyncpa.u1 $0x1;
	s2 =	simm.s32 $0x0  }
0x133: {  	s3 =	simm.s32 $0xC0  }
0x134: {  	v0 =	vld.msk [tilespmem:s3+$0x0], $0x1;
	_ =	sdelay $0x4  }
0x135: {  	(v2sf) =	vpush v0, $0x0;
	_ =	sdelay $0xe  }
0x136: {  	s0 =	sadd.s32 $0xFFFFFFFF, s0;
	s4 =	spop (v2sf)  }
0x137: {  	p1 =	sne.s32 s0, $0x0;
	p0 =	sgt.u32 s4, $0x7FF  }
.Ltmp16:
0x138: {  	s5 =	sshrl.u32 @!p0 s4, $0x3;
	(pc) =	sbr.rel @!p1 .LBB2_22-.Ltmp16, $4  }
0x139: {  	s3 =	simm.s32 $0xE0;
	s4 =	sand.u32 @!p0 $0x7, s4;
	s5 =	sadd.s32 @!p0 s1, s5  }
0x13a: {  	[hbm4b:s5+s4] =	stream.linear.scatter @!p0 [tilespmem:s3], [sflag:$0x5], $0x1, $0x38;
	[tilespmem:$0x360] =	vst v63  }
0x13b: {  	s5 =	simm.s32 $0x0  }
0x13c: {  	s4 =	simm.s32 $0xC1;
	s5 =	simm.s32 @!p0 $0x4  }
.LBB2_21:
0x13d: {  	v0 =	vld.msk [tilespmem:s4+$0x0], $0x1;
	s0 =	sadd.s32 $0xFFFFFFFF, s0;
	s2 =	sadd.s32 s2, s5  }
0x13e: {  	p0 =	sne.s32 s0, $0x0;
	_ =	sdelay $0x3  }
0x13f: {  	(v2sf) =	vpush v0, $0x0;
	_ =	sdelay $0xe  }
.Ltmp17:
0x140: {  	s6 =	spop (v2sf);
	(pc) =	sbr.rel @p0 .LBB2_21-.Ltmp17, $4  }
0x141: {  	s5 =	simm.s32 $0x0;
	p1 =	sgt.u32 s6, $0x7FF  }
0x142: {  	s3 =	sadd.s32 $0x1, s3;
	s5 =	simm.s32 @!p1 $0x4;
	s7 =	sshrl.u32 @!p1 s6, $0x3  }
0x143: {  	s4 =	sadd.s32 $0x1, s4;
	s6 =	sand.u32 @!p1 $0x7, s6;
	s7 =	sadd.s32 @!p1 s1, s7  }
0x144: {  	[hbm4b:s7+s6] =	stream.linear.scatter @!p1 [tilespmem:s3], [sflag:$0x5], $0x1, $0x38;
	[tilespmem:$0x360] =	vst v63  }
.LBB2_22:
0x145: {  	s0 =	sadd.s32 s2, s5  }
0x146: {  	s2 =	sshrl.u32 s0, $0x2  }
.LBB2_23:
0x147: {  	s0 =	simm.s32 $0x5  }
0x148: {  	_ =	swait.ge [sflag:s0], s2  }
0x149: {  	s1 =	ssub.s32 $0x0, s2;
	[sflag:s0] =	ssyncset.done $0x0  }
0x14a: {  	[sflag:s0] =	ssyncadd.s32 s1  }
0x14b: {  	[sflag:s0] =	ssyncpa.u1 $0x1  }
0x14c: {  	s29 =	simm.s32 $0x1;
	_ =	sfence  }
0x14d: {  	s30 =	simm.s32 $0x2;
	[sflag:s29] =	ssyncpa.u1 $0x1  }
0x14e: {  	[sflag:s30] =	ssyncpa.u1 $0x1  }
0x14f: {  	_ =	strace $0x90000047  }
0x150: {  	[bflag:$0x2] =	sbarrier.arrive $0xFFFF  }
0x151: {  	s31 =	rddreg [dreg:$0x2]  }
0x152: {  	s0 =	sadd.s32 $0x100000, s31  }
0x153: {  	[sflag:s0] =	ssyncadd.tile.s32 $0x1;
	_ =	shalt  }
.Lfunc_end2:
_tile_overlayer_lowered:
.L_overlay_start_2:
0x154: {  	(tag) =	ssettag $0x2  }
0x155: {  	s0 =	rddreg [dreg:$0x0];
	s2 =	stileid.u32  }
0x156: {  	s1 =	rddreg [dreg:$0x1];
	p0 =	sne.s32 s2, $0x0  }
0x157: {  	s3 =	rddreg [dreg:$0x2];
	[bflag:$0x3] =	sbarrier.arrive $0xFFFF;
	s2 =	simm.s32 @!p0 $0x1C01  }
0x158: {  	[timem:s3], [sflag:s2] =	dma.local @!p0 [hbm:s0], s1  }
0x159: {  	s0 =	simm.s32 @!p0 $0x1  }
0x15a: {  	_ =	swait.ge @!p0 [sflag:s0], s1  }
0x15b: {  	s1 =	ssub.s32 @!p0 $0x0, s1;
	[sflag:s0] =	ssyncset.done @!p0 $0x0  }
0x15c: {  	[sflag:s0] =	ssyncadd.s32 @!p0 s1  }
0x15d: {  	[bflag:$0x3] =	sbarrier.arrive $0xFFFF  }
0x15e: {  	_ =	shalt  }

</sc_bundles>
